<compile_context>
chip_gen: v7x
topology: tpu7x:2x2x1
jax: 0.10.2.dev20260603
libtpu: 0.0.44.dev20260713+nightly
codegen_flags: <defaults>
</compile_context>

<pallas_src>
import functools

import jax
import jax.numpy as jnp
from jax import lax
from jax.experimental import pallas as pl
from jax.experimental.pallas import tpu as pltpu
from jax.experimental.pallas import tpu_sc as plsc

_NC = 2
_NS = 16
_CHUNK = 80
_ROWS = 1024



def _degree_call(dstd, init):
    nc, ns, nchunk, chunk = dstd.shape
    n = init.shape[1]
    rpt = n // ns
    mesh = plsc.VectorSubcoreMesh(core_axis_name="c", subcore_axis_name="s")

    @functools.partial(
        pl.kernel,
        out_type=jax.ShapeDtypeStruct((nc, n, 16), jnp.float32),
        mesh=mesh,
        scratch_types=[
            pltpu.VMEM((nchunk, chunk), jnp.int32),
            pltpu.VMEM((chunk, 16), jnp.float32),
            pltpu.VMEM_SHARED((n, 16), jnp.float32),
        ],
    )
    def deg_k(dst_hbm, init_hbm, out_hbm, dstv, onesv, acc):
        c = lax.axis_index("c")
        s = lax.axis_index("s")
        r0 = s * rpt
        pltpu.sync_copy(init_hbm.at[c, pl.ds(r0, rpt)], acc.at[pl.ds(r0, rpt)])
        pltpu.sync_copy(init_hbm.at[0, pl.ds(0, chunk)], onesv)
        pltpu.sync_copy(dst_hbm.at[c, s], dstv)
        plsc.subcore_barrier()

        def body(j, carry):
            pltpu.sync_copy(onesv, acc.at[dstv.at[j]], add=True)
            return carry

        lax.fori_loop(0, nchunk, body, 0)
        plsc.subcore_barrier()
        pltpu.sync_copy(acc.at[pl.ds(r0, rpt)], out_hbm.at[c, pl.ds(r0, rpt)])

    return deg_k(dstd, init)


def _agg_call(table, srcx, dsta):
    nt, ns, nchunk, chunk = srcx.shape
    n = table.shape[0] // nt
    rpt = n // ns
    npass = nt // _NC
    mesh = plsc.VectorSubcoreMesh(core_axis_name="c", subcore_axis_name="s")

    @functools.partial(
        pl.kernel,
        out_type=jax.ShapeDtypeStruct((nt, n, 64), jnp.float32),
        mesh=mesh,
        scratch_types=[
            pltpu.VMEM((nchunk, chunk), jnp.int32),
            pltpu.VMEM((nchunk, chunk), jnp.int32),
            pltpu.VMEM((chunk, 64), jnp.float32),
            pltpu.VMEM((chunk, 64), jnp.float32),
            pltpu.SemaphoreType.DMA,
            pltpu.SemaphoreType.DMA,
            pltpu.VMEM_SHARED((n, 64), jnp.float32),
        ],
        compiler_params=pltpu.CompilerParams(use_tc_tiling_on_sc=False),
    )
    def agg_k(table_hbm, src_hbm, dst_hbm, out_hbm,
              srcv, dstv, rows0, rows1, sem0, sem1, acc):
        c = lax.axis_index("c")
        s = lax.axis_index("s")
        r0 = s * rpt
        pltpu.sync_copy(dst_hbm.at[s], dstv)

        rows = (rows0, rows1)
        sems = (sem0, sem1)

        def start(j, b):
            pltpu.async_copy(table_hbm.at[srcv.at[j]], rows[b], sems[b])

        def wait(b):
            pltpu.make_async_copy(table_hbm.at[srcv.at[0]],
                                  rows[b], sems[b]).wait()

        def half(j, b):
            @pl.when(j + 1 < nchunk)
            def _():
                start(j + 1, 1 - b)
            wait(b)
            pltpu.sync_copy(rows[b], acc.at[dstv.at[j]], add=True)

        def body(j2, carry):
            half(2 * j2, 0)
            half(2 * j2 + 1, 1)
            return carry

        for p in range(npass):
            t = npass * c + p
            pltpu.sync_copy(table_hbm.at[pl.ds(t * n + r0, rpt)],
                            acc.at[pl.ds(r0, rpt)])
            pltpu.sync_copy(src_hbm.at[t, s], srcv)
            plsc.subcore_barrier()
            start(0, 0)
            lax.fori_loop(0, nchunk // 2, body, 0)
            plsc.subcore_barrier()
            pltpu.sync_copy(acc.at[pl.ds(r0, rpt)],
                            out_hbm.at[t, pl.ds(r0, rpt)])

    return agg_k(table, srcx, dsta)



def _dis(dc_ref):
    deg = dc_ref[0] + dc_ref[1]
    return lax.rsqrt(deg[:, 0:1])


def _split_store(out_ref, gh, gs):
    out_ref[0] = gh[:, :64]
    out_ref[1] = gh[:, 64:]
    out_ref[2] = gs[:, :64]
    out_ref[3] = gs[:, 64:]


def _join(a_ref):
    ah = jnp.concatenate([a_ref[0], a_ref[1]], axis=1)
    as_ = jnp.concatenate([a_ref[2], a_ref[3]], axis=1)
    return ah, as_


def _dense1_body(x_ref, stc_ref, dc_ref, wemb_ref, bemb_ref,
                 w1a_ref, w1b_ref, ws1_ref, out_ref):
    dis = _dis(dc_ref)
    s = jnp.dot(stc_ref[...], wemb_ref[...],
                preferred_element_type=jnp.float32) + bemb_ref[...]
    gh = (jnp.dot(x_ref[...], w1a_ref[...], preferred_element_type=jnp.float32)
          + jnp.dot(s, w1b_ref[...], preferred_element_type=jnp.float32)) * dis
    gs = jnp.dot(s, ws1_ref[...], preferred_element_type=jnp.float32) * dis
    _split_store(out_ref, gh, gs)


def _dense2_body(a_ref, dc_ref, b1_ref, bs1_ref,
                 w2a_ref, w2b_ref, ws2_ref, out_ref):
    dis = _dis(dc_ref)
    ah, as_ = _join(a_ref)
    h1 = jax.nn.relu(ah * dis + b1_ref[...])
    s1 = jnp.tanh(as_ * dis + bs1_ref[...])
    gh = (jnp.dot(h1, w2a_ref[...], preferred_element_type=jnp.float32)
          + jnp.dot(s1, w2b_ref[...], preferred_element_type=jnp.float32)) * dis
    gs = jnp.dot(s1, ws2_ref[...], preferred_element_type=jnp.float32) * dis
    _split_store(out_ref, gh, gs)


def _dense3_body(a_ref, dc_ref, b2_ref, bs2_ref, wpa_ref, wpb_ref, bhp_ref,
                 wc_ref, bc_ref, out_ref, *, nclass):
    dis = _dis(dc_ref)
    ah, as_ = _join(a_ref)
    h2 = jax.nn.relu(ah * dis + b2_ref[...])
    s2 = jnp.tanh(as_ * dis + bs2_ref[...])
    hp = jax.nn.relu(
        jnp.dot(h2, wpa_ref[...], preferred_element_type=jnp.float32)
        + jnp.dot(s2, wpb_ref[...], preferred_element_type=jnp.float32)
        + bhp_ref[...])
    logits = jnp.dot(hp, wc_ref[...],
                     preferred_element_type=jnp.float32) + bc_ref[...]
    col = lax.broadcasted_iota(jnp.int32, logits.shape, 1)
    valid = col < nclass
    mx = jnp.max(jnp.where(valid, logits, -3e38), axis=1, keepdims=True)
    ex = jnp.where(valid, jnp.exp(logits - mx), 0.0)
    lse = jnp.log(jnp.sum(ex, axis=1, keepdims=True))
    out_ref[...] = logits - mx - lse


def _row_spec(r, width):
    return pl.BlockSpec((r, width), lambda i: (i, 0))


def _full_spec(shape):
    return pl.BlockSpec(shape, lambda i: tuple(0 for _ in shape))


def _stacked_spec(r, width, planes=2):
    return pl.BlockSpec((planes, r, width), lambda i: (0, i, 0))


def _dense1(x, stc, degc, wemb, bemb, w1a, w1b, ws1, n, r):
    return pl.pallas_call(
        _dense1_body,
        grid=(n // r,),
        in_specs=[
            _row_spec(r, x.shape[1]),
            _row_spec(r, stc.shape[1]),
            _stacked_spec(r, 16),
            _full_spec(wemb.shape), _full_spec(bemb.shape),
            _full_spec(w1a.shape), _full_spec(w1b.shape), _full_spec(ws1.shape),
        ],
        out_specs=_stacked_spec(r, 64, 4),
        out_shape=jax.ShapeDtypeStruct((4, n, 64), jnp.float32),
    )(x, stc, degc, wemb, bemb, w1a, w1b, ws1)


def _dense2(a, degc, b1, bs1, w2a, w2b, ws2, n, r):
    return pl.pallas_call(
        _dense2_body,
        grid=(n // r,),
        in_specs=[
            _stacked_spec(r, 64, 4),
            _stacked_spec(r, 16),
            _full_spec(b1.shape), _full_spec(bs1.shape),
            _full_spec(w2a.shape), _full_spec(w2b.shape), _full_spec(ws2.shape),
        ],
        out_specs=_stacked_spec(r, 64, 4),
        out_shape=jax.ShapeDtypeStruct((4, n, 64), jnp.float32),
    )(a, degc, b1, bs1, w2a, w2b, ws2)


def _dense3(a, degc, b2, bs2, wpa, wpb, bhp, wc, bc, n, r, nclass):
    return pl.pallas_call(
        functools.partial(_dense3_body, nclass=nclass),
        grid=(n // r,),
        in_specs=[
            _stacked_spec(r, 64, 4),
            _stacked_spec(r, 16),
            _full_spec(b2.shape), _full_spec(bs2.shape),
            _full_spec(wpa.shape), _full_spec(wpb.shape), _full_spec(bhp.shape),
            _full_spec(wc.shape), _full_spec(bc.shape),
        ],
        out_specs=_row_spec(r, 128),
        out_shape=jax.ShapeDtypeStruct((n, 128), jnp.float32),
    )(a, degc, b2, bs2, wpa, wpb, bhp, wc, bc)



def kernel(x, stc_enc, edge_index, batch, W_emb, b_emb, W1, b1, Ws1, bs1,
           W2, b2, Ws2, bs2, Whp_W, Whp_b, Wc, bc):
    n, nf = x.shape
    e = edge_index.shape[1]
    nh = W_emb.shape[1]
    nclass = Wc.shape[1]

    src = edge_index[0].astype(jnp.int32)
    dst = edge_index[1].astype(jnp.int32)

    npad = -(-n // _ROWS) * _ROWS

    dstd = dst.reshape(_NC, _NS, -1, _CHUNK)
    dsta = dst.reshape(_NS, -1, _CHUNK)
    srcx = jnp.concatenate(
        [src + t * npad for t in range(4)]).reshape(4, _NS, -1, _CHUNK)
    init = jnp.concatenate([jnp.ones((1, npad, 16), jnp.float32),
                            jnp.zeros((1, npad, 16), jnp.float32)])

    w1a, w1b = W1[:nf], W1[nf:]
    w2a, w2b = W2[:nh], W2[nh:]
    wpa, wpb = Whp_W[:nh], Whp_W[nh:]
    wc_p = jnp.zeros((nh, 128), jnp.float32).at[:, :nclass].set(Wc)
    bc_p = jnp.zeros((1, 128), jnp.float32).at[:, :nclass].set(bc)
    b_embr = b_emb.reshape(1, nh)
    b1r = b1.reshape(1, nh)
    bs1r = bs1.reshape(1, nh)
    b2r = b2.reshape(1, nh)
    bs2r = bs2.reshape(1, nh)
    bhpr = Whp_b.reshape(1, nh)

    degc = _degree_call(dstd, init)
    g1 = _dense1(x, stc_enc, degc, W_emb, b_embr,
                 w1a, w1b, Ws1, npad, _ROWS)
    a1 = _agg_call(g1.reshape(4 * npad, 64), srcx, dsta)
    g2 = _dense2(a1, degc, b1r, bs1r, w2a, w2b, Ws2,
                 npad, _ROWS)
    a2 = _agg_call(g2.reshape(4 * npad, 64), srcx, dsta)
    out = _dense3(a2, degc, b2r, bs2r, wpa, wpb, bhpr,
                  wc_p, bc_p, npad, _ROWS, nclass)
    return out[:n, :nclass]

# --- scband reference (transcript-rebuilt; emitter-appended) ---
"""Pipeline reference for scband-gcn-dc-4612794876642 (READ-ONLY COPY).

The authoritative reference and input builder live on the scoring server;
editing this copy changes nothing except your own understanding.
"""

import jax, jax.numpy as jnp
import numpy as np

N = 10000
E = 320000
NF = 128
NH = 128
NSE = 16
NC = 40


def setup_inputs(seed: int = 0):
    key = jax.random.key(seed)
    ks = jax.random.split(key, 12)
    inp = {}
    inp["x"] = jax.random.normal(ks[0], (N, NF), jnp.float32)
    inp["stc_enc"] = jax.random.normal(ks[1], (N, NSE), jnp.float32)
    inp["edge_index"] = jax.random.randint(ks[2], (2, E), 0, N)
    inp["batch"] = jnp.zeros((N,), jnp.int32)

    def w(k, shape):
        return jax.random.normal(k, shape, jnp.float32) * 0.05

    inp["W_emb"] = w(ks[3], (NSE, NH)); inp["b_emb"] = jnp.zeros((NH,), jnp.float32)
    inp["W1"] = w(ks[4], (NF + NH, NH)); inp["b1"] = jnp.zeros((NH,), jnp.float32)
    inp["Ws1"] = w(ks[5], (NH, NH)); inp["bs1"] = jnp.zeros((NH,), jnp.float32)
    inp["W2"] = w(ks[6], (NH + NH, NH)); inp["b2"] = jnp.zeros((NH,), jnp.float32)
    inp["Ws2"] = w(ks[7], (NH, NH)); inp["bs2"] = jnp.zeros((NH,), jnp.float32)
    inp["Whp_W"] = w(ks[8], (NH + NH, NH)); inp["Whp_b"] = jnp.zeros((NH,), jnp.float32)
    inp["Wc"] = w(ks[9], (NH, NC)); inp["bc"] = jnp.zeros((NC,), jnp.float32)
    return inp


def _gcn_conv(h, src, dst, W, b):
    # PyG GCNConv: h' = D^{-1/2} (A + I) D^{-1/2} (h W) + b
    h = h @ W
    loop = jnp.arange(N)
    s2 = jnp.concatenate([src, loop])
    d2 = jnp.concatenate([dst, loop])
    deg = jax.ops.segment_sum(jnp.ones((s2.shape[0],), jnp.float32), d2, num_segments=N)
    dis = jnp.where(deg > 0, jax.lax.rsqrt(jnp.maximum(deg, 1e-12)), 0.0)
    norm = dis[s2] * dis[d2]
    msg = h[s2] * norm[:, None]
    out = jax.ops.segment_sum(msg, d2, num_segments=N)
    return out + b


def reference(x, stc_enc, edge_index, batch, W_emb, b_emb, W1, b1, Ws1, bs1, W2, b2, Ws2, bs2, Whp_W, Whp_b, Wc, bc):
    # eval mode: dropout is identity
    src = edge_index[0]
    dst = edge_index[1]
    s = stc_enc @ W_emb + b_emb
    h = jnp.concatenate([x, s], axis=-1)
    h = jax.nn.relu(_gcn_conv(h, src, dst, W1, b1))
    s = jnp.tanh(_gcn_conv(s, src, dst, Ws1, bs1))
    h = jnp.concatenate([h, s], axis=-1)
    h = jax.nn.relu(_gcn_conv(h, src, dst, W2, b2))
    s = jnp.tanh(_gcn_conv(s, src, dst, Ws2, bs2))
    h = jax.nn.relu(jnp.concatenate([h, s], axis=-1) @ Whp_W + Whp_b)
    logits = h @ Wc + bc
    return jax.nn.log_softmax(logits, axis=1)

if __name__ == "__main__":
    import jax
    _d = setup_inputs()
    print(jax.jit(kernel)(*tuple(_d.values())))

</pallas_src>

<mosaic_0001>
#map = affine_map<(d0, d1) -> (0, 0, 0, 0)>
#map1 = affine_map<(d0, d1) -> (0, 0, 0)>
module attributes {stable_mosaic.version = 14 : i64} {
  func.func @deg_k(%arg0: i32, %arg1: i32, %arg2: memref<2x16x125x80xi32, #tpu.memory_space<hbm>>, %arg3: memref<2x10240x16xf32, #tpu.memory_space<hbm>>, %arg4: memref<2x10240x16xf32, #tpu.memory_space<hbm>>, %arg5: memref<125x80xi32, #tpu.memory_space<vmem>>, %arg6: memref<80x16xf32, #tpu.memory_space<vmem>>, %arg7: memref<10240x16xf32, #tpu.memory_space<vmem_shared>>) attributes {dimension_semantics = [#tpu.dimension_semantics<core_parallel>, #tpu.dimension_semantics<subcore_parallel>], iteration_bounds = array<i64: 2, 16>, scalar_prefetch = 0 : i64, scratch_operands = 3 : i64, tpu.core_type = #tpu.core_type<sc_vector_subcore>, window_params = [{transform_indices = #map}, {transform_indices = #map1}, {transform_indices = #map1}]} {
    %mul3A = arith.constant 640 : i32
    %mul3A_0 = arith.muli %arg1, %mul3A : i32
    "tpu.region"() ({
      %run_scoped3A_7 = tpu.sem_alloc : memref<!tpu.dma_semaphore, #tpu.memory_space<semaphore_mem>>
      %dma_start3A = arith.constant 0 : i32
      %dma_start3A_8 = tpu.memref_slice %arg7[%mul3A_0, %dma_start3A] : memref<10240x16xf32, #tpu.memory_space<vmem_shared>> -> memref<640x16xf32, #tpu.memory_space<vmem_shared>>
      %dma_start3A_9 = arith.constant 0 : i32
      %dma_start3A_10 = tpu.memref_slice %arg3[%arg0, %mul3A_0, %dma_start3A_9] : memref<2x10240x16xf32, #tpu.memory_space<hbm>> -> memref<1x640x16xf32, #tpu.memory_space<hbm>>
      %dma_start3A_11 = tpu.memref_squeeze %dma_start3A_10 : memref<1x640x16xf32, #tpu.memory_space<hbm>> -> memref<640x16xf32, #tpu.memory_space<hbm>>
      tpu.enqueue_dma source(%dma_start3A_11 : memref<640x16xf32, #tpu.memory_space<hbm>>) target(%dma_start3A_8 : memref<640x16xf32, #tpu.memory_space<vmem_shared>>) target_semaphore(%run_scoped3A_7 : memref<!tpu.dma_semaphore, #tpu.memory_space<semaphore_mem>>)
      %dma_wait3A = arith.constant 0 : i32
      %dma_wait3A_12 = tpu.memref_slice %arg7[%mul3A_0, %dma_wait3A] : memref<10240x16xf32, #tpu.memory_space<vmem_shared>> -> memref<640x16xf32, #tpu.memory_space<vmem_shared>>
      %dma_wait3A_13 = arith.constant 0 : i32
      %dma_wait3A_14 = tpu.memref_slice %arg3[%arg0, %mul3A_0, %dma_wait3A_13] : memref<2x10240x16xf32, #tpu.memory_space<hbm>> -> memref<1x640x16xf32, #tpu.memory_space<hbm>>
      %dma_wait3A_15 = tpu.memref_squeeze %dma_wait3A_14 : memref<1x640x16xf32, #tpu.memory_space<hbm>> -> memref<640x16xf32, #tpu.memory_space<hbm>>
      tpu.wait_dma2 semaphore(%run_scoped3A_7 : memref<!tpu.dma_semaphore, #tpu.memory_space<semaphore_mem>>) src(%dma_wait3A_15 : memref<640x16xf32, #tpu.memory_space<hbm>>) dst(%dma_wait3A_12 : memref<640x16xf32, #tpu.memory_space<vmem_shared>>)
      tpu.yield
    }) : () -> ()
    %run_scoped3A = arith.constant 0 : i32
    "tpu.region"() ({
      %run_scoped3A_7 = tpu.sem_alloc : memref<!tpu.dma_semaphore, #tpu.memory_space<semaphore_mem>>
      %dma_start3A = arith.constant 0 : i32
      %dma_start3A_8 = arith.constant 0 : i32
      %dma_start3A_9 = tpu.memref_slice %arg3[%run_scoped3A, %dma_start3A, %dma_start3A_8] : memref<2x10240x16xf32, #tpu.memory_space<hbm>> -> memref<1x80x16xf32, #tpu.memory_space<hbm>>
      %dma_start3A_10 = tpu.memref_squeeze %dma_start3A_9 : memref<1x80x16xf32, #tpu.memory_space<hbm>> -> memref<80x16xf32, #tpu.memory_space<hbm>>
      %dma_start3A_11 = arith.constant 0 : i32
      %dma_start3A_12 = arith.constant 0 : i32
      %dma_start3A_13 = tpu.memref_slice %arg3[%run_scoped3A, %dma_start3A_11, %dma_start3A_12] : memref<2x10240x16xf32, #tpu.memory_space<hbm>> -> memref<1x80x16xf32, #tpu.memory_space<hbm>>
      %dma_start3A_14 = tpu.memref_squeeze %dma_start3A_13 : memref<1x80x16xf32, #tpu.memory_space<hbm>> -> memref<80x16xf32, #tpu.memory_space<hbm>>
      tpu.enqueue_dma source(%dma_start3A_14 : memref<80x16xf32, #tpu.memory_space<hbm>>) target(%arg6 : memref<80x16xf32, #tpu.memory_space<vmem>>) target_semaphore(%run_scoped3A_7 : memref<!tpu.dma_semaphore, #tpu.memory_space<semaphore_mem>>)
      %dma_wait3A = arith.constant 0 : i32
      %dma_wait3A_15 = arith.constant 0 : i32
      %dma_wait3A_16 = tpu.memref_slice %arg3[%run_scoped3A, %dma_wait3A, %dma_wait3A_15] : memref<2x10240x16xf32, #tpu.memory_space<hbm>> -> memref<1x80x16xf32, #tpu.memory_space<hbm>>
      %dma_wait3A_17 = tpu.memref_squeeze %dma_wait3A_16 : memref<1x80x16xf32, #tpu.memory_space<hbm>> -> memref<80x16xf32, #tpu.memory_space<hbm>>
      %dma_wait3A_18 = arith.constant 0 : i32
      %dma_wait3A_19 = arith.constant 0 : i32
      %dma_wait3A_20 = tpu.memref_slice %arg3[%run_scoped3A, %dma_wait3A_18, %dma_wait3A_19] : memref<2x10240x16xf32, #tpu.memory_space<hbm>> -> memref<1x80x16xf32, #tpu.memory_space<hbm>>
      %dma_wait3A_21 = tpu.memref_squeeze %dma_wait3A_20 : memref<1x80x16xf32, #tpu.memory_space<hbm>> -> memref<80x16xf32, #tpu.memory_space<hbm>>
      tpu.wait_dma2 semaphore(%run_scoped3A_7 : memref<!tpu.dma_semaphore, #tpu.memory_space<semaphore_mem>>) src(%dma_wait3A_21 : memref<80x16xf32, #tpu.memory_space<hbm>>) dst(%arg6 : memref<80x16xf32, #tpu.memory_space<vmem>>)
      tpu.yield
    }) : () -> ()
    "tpu.region"() ({
      %run_scoped3A_7 = tpu.sem_alloc : memref<!tpu.dma_semaphore, #tpu.memory_space<semaphore_mem>>
      %dma_start3A = arith.constant 0 : i32
      %dma_start3A_8 = arith.constant 0 : i32
      %dma_start3A_9 = tpu.memref_slice %arg2[%arg0, %arg1, %dma_start3A, %dma_start3A_8] : memref<2x16x125x80xi32, #tpu.memory_space<hbm>> -> memref<1x1x125x80xi32, #tpu.memory_space<hbm>>
      %dma_start3A_10 = tpu.memref_squeeze %dma_start3A_9 : memref<1x1x125x80xi32, #tpu.memory_space<hbm>> -> memref<125x80xi32, #tpu.memory_space<hbm>>
      %dma_start3A_11 = arith.constant 0 : i32
      %dma_start3A_12 = arith.constant 0 : i32
      %dma_start3A_13 = tpu.memref_slice %arg2[%arg0, %arg1, %dma_start3A_11, %dma_start3A_12] : memref<2x16x125x80xi32, #tpu.memory_space<hbm>> -> memref<1x1x125x80xi32, #tpu.memory_space<hbm>>
      %dma_start3A_14 = tpu.memref_squeeze %dma_start3A_13 : memref<1x1x125x80xi32, #tpu.memory_space<hbm>> -> memref<125x80xi32, #tpu.memory_space<hbm>>
      tpu.enqueue_dma source(%dma_start3A_14 : memref<125x80xi32, #tpu.memory_space<hbm>>) target(%arg5 : memref<125x80xi32, #tpu.memory_space<vmem>>) target_semaphore(%run_scoped3A_7 : memref<!tpu.dma_semaphore, #tpu.memory_space<semaphore_mem>>)
      %dma_wait3A = arith.constant 0 : i32
      %dma_wait3A_15 = arith.constant 0 : i32
      %dma_wait3A_16 = tpu.memref_slice %arg2[%arg0, %arg1, %dma_wait3A, %dma_wait3A_15] : memref<2x16x125x80xi32, #tpu.memory_space<hbm>> -> memref<1x1x125x80xi32, #tpu.memory_space<hbm>>
      %dma_wait3A_17 = tpu.memref_squeeze %dma_wait3A_16 : memref<1x1x125x80xi32, #tpu.memory_space<hbm>> -> memref<125x80xi32, #tpu.memory_space<hbm>>
      %dma_wait3A_18 = arith.constant 0 : i32
      %dma_wait3A_19 = arith.constant 0 : i32
      %dma_wait3A_20 = tpu.memref_slice %arg2[%arg0, %arg1, %dma_wait3A_18, %dma_wait3A_19] : memref<2x16x125x80xi32, #tpu.memory_space<hbm>> -> memref<1x1x125x80xi32, #tpu.memory_space<hbm>>
      %dma_wait3A_21 = tpu.memref_squeeze %dma_wait3A_20 : memref<1x1x125x80xi32, #tpu.memory_space<hbm>> -> memref<125x80xi32, #tpu.memory_space<hbm>>
      tpu.wait_dma2 semaphore(%run_scoped3A_7 : memref<!tpu.dma_semaphore, #tpu.memory_space<semaphore_mem>>) src(%dma_wait3A_21 : memref<125x80xi32, #tpu.memory_space<hbm>>) dst(%arg5 : memref<125x80xi32, #tpu.memory_space<vmem>>)
      tpu.yield
    }) : () -> ()
    %barrier3A = arith.constant 0 : index
    tpu.barrier barrier_id(%barrier3A)
    %scan3A = arith.constant 0 : i32
    %scan3A_1 = arith.constant 0 : i32
    %scan3A_2 = arith.constant 125 : i32
    %scan3A_3 = arith.addi %scan3A_1, %scan3A_2 : i32
    %scan3A_4 = arith.constant 1 : i32
    scf.for %scan3A_7 = %scan3A_1 to %scan3A_3 step %scan3A_4  : i32 {
      "tpu.region"() ({
        %run_scoped3A_8 = tpu.sem_alloc : memref<!tpu.dma_semaphore, #tpu.memory_space<semaphore_mem>>
        %dma_start3A = arith.constant 0 : i32
        %dma_start3A_9 = tpu.memref_slice %arg5[%scan3A_7, %dma_start3A] : memref<125x80xi32, #tpu.memory_space<vmem>> -> memref<1x80xi32, #tpu.memory_space<vmem>>
        %dma_start3A_10 = tpu.memref_squeeze %dma_start3A_9 : memref<1x80xi32, #tpu.memory_space<vmem>> -> memref<80xi32, #tpu.memory_space<vmem>>
        %dma_start3A_11 = arith.constant 0 : i32
        %dma_start3A_12 = arith.constant 0 : i32
        %dma_start3A_13 = tpu.memref_slice %arg7[%dma_start3A_11, %dma_start3A_12] : memref<10240x16xf32, #tpu.memory_space<vmem_shared>> -> memref<10240x16xf32, #tpu.memory_space<vmem_shared>>
        tpu.enqueue_indirect_dma source(%arg6 : memref<80x16xf32, #tpu.memory_space<vmem>>) target(%dma_start3A_13 : memref<10240x16xf32, #tpu.memory_space<vmem_shared>>) offsets(%dma_start3A_10 : memref<80xi32, #tpu.memory_space<vmem>>) semaphore(%run_scoped3A_8 : memref<!tpu.dma_semaphore, #tpu.memory_space<semaphore_mem>>) {add = true}
        %dma_wait3A = arith.constant 0 : i32
        %dma_wait3A_14 = tpu.memref_slice %arg5[%scan3A_7, %dma_wait3A] : memref<125x80xi32, #tpu.memory_space<vmem>> -> memref<1x80xi32, #tpu.memory_space<vmem>>
        %dma_wait3A_15 = tpu.memref_squeeze %dma_wait3A_14 : memref<1x80xi32, #tpu.memory_space<vmem>> -> memref<80xi32, #tpu.memory_space<vmem>>
        %dma_wait3A_16 = arith.constant 0 : i32
        %dma_wait3A_17 = arith.constant 0 : i32
        %dma_wait3A_18 = tpu.memref_slice %arg7[%dma_wait3A_16, %dma_wait3A_17] : memref<10240x16xf32, #tpu.memory_space<vmem_shared>> -> memref<10240x16xf32, #tpu.memory_space<vmem_shared>>
        tpu.wait_indirect_dma semaphore(%run_scoped3A_8 : memref<!tpu.dma_semaphore, #tpu.memory_space<semaphore_mem>>) src(%arg6 : memref<80x16xf32, #tpu.memory_space<vmem>>) dst(%dma_wait3A_18 : memref<10240x16xf32, #tpu.memory_space<vmem_shared>>)
        tpu.yield
      }) : () -> ()
    }
    %scan3A_5 = arith.constant 125 : i32
    %barrier3A_6 = arith.constant 0 : index
    tpu.barrier barrier_id(%barrier3A_6)
    "tpu.region"() ({
      %run_scoped3A_7 = tpu.sem_alloc : memref<!tpu.dma_semaphore, #tpu.memory_space<semaphore_mem>>
      %dma_start3A = arith.constant 0 : i32
      %dma_start3A_8 = tpu.memref_slice %arg4[%arg0, %mul3A_0, %dma_start3A] : memref<2x10240x16xf32, #tpu.memory_space<hbm>> -> memref<1x640x16xf32, #tpu.memory_space<hbm>>
      %dma_start3A_9 = tpu.memref_squeeze %dma_start3A_8 : memref<1x640x16xf32, #tpu.memory_space<hbm>> -> memref<640x16xf32, #tpu.memory_space<hbm>>
      %dma_start3A_10 = arith.constant 0 : i32
      %dma_start3A_11 = tpu.memref_slice %arg7[%mul3A_0, %dma_start3A_10] : memref<10240x16xf32, #tpu.memory_space<vmem_shared>> -> memref<640x16xf32, #tpu.memory_space<vmem_shared>>
      tpu.enqueue_dma source(%dma_start3A_11 : memref<640x16xf32, #tpu.memory_space<vmem_shared>>) target(%dma_start3A_9 : memref<640x16xf32, #tpu.memory_space<hbm>>) target_semaphore(%run_scoped3A_7 : memref<!tpu.dma_semaphore, #tpu.memory_space<semaphore_mem>>)
      %dma_wait3A = arith.constant 0 : i32
      %dma_wait3A_12 = tpu.memref_slice %arg4[%arg0, %mul3A_0, %dma_wait3A] : memref<2x10240x16xf32, #tpu.memory_space<hbm>> -> memref<1x640x16xf32, #tpu.memory_space<hbm>>
      %dma_wait3A_13 = tpu.memref_squeeze %dma_wait3A_12 : memref<1x640x16xf32, #tpu.memory_space<hbm>> -> memref<640x16xf32, #tpu.memory_space<hbm>>
      %dma_wait3A_14 = arith.constant 0 : i32
      %dma_wait3A_15 = tpu.memref_slice %arg7[%mul3A_0, %dma_wait3A_14] : memref<10240x16xf32, #tpu.memory_space<vmem_shared>> -> memref<640x16xf32, #tpu.memory_space<vmem_shared>>
      tpu.wait_dma2 semaphore(%run_scoped3A_7 : memref<!tpu.dma_semaphore, #tpu.memory_space<semaphore_mem>>) src(%dma_wait3A_15 : memref<640x16xf32, #tpu.memory_space<vmem_shared>>) dst(%dma_wait3A_13 : memref<640x16xf32, #tpu.memory_space<hbm>>)
      tpu.yield
    }) : () -> ()
    return
  }
}

#map = affine_map<(d0, d1) -> (0, 0)>
#map1 = affine_map<(d0, d1) -> (0, 0, 0, 0)>
#map2 = affine_map<(d0, d1) -> (0, 0, 0)>
module attributes {stable_mosaic.version = 14 : i64} {
  func.func @agg_k(%arg0: i32, %arg1: i32, %arg2: memref<40960x64xf32, #tpu.memory_space<hbm>>, %arg3: memref<4x16x250x80xi32, #tpu.memory_space<hbm>>, %arg4: memref<16x250x80xi32, #tpu.memory_space<hbm>>, %arg5: memref<4x10240x64xf32, #tpu.memory_space<hbm>>, %arg6: memref<250x80xi32, #tpu.memory_space<vmem>>, %arg7: memref<250x80xi32, #tpu.memory_space<vmem>>, %arg8: memref<80x64xf32, #tpu.memory_space<vmem>>, %arg9: memref<80x64xf32, #tpu.memory_space<vmem>>, %arg10: memref<!tpu.dma_semaphore, #tpu.memory_space<semaphore_mem>>, %arg11: memref<!tpu.dma_semaphore, #tpu.memory_space<semaphore_mem>>, %arg12: memref<10240x64xf32, #tpu.memory_space<vmem_shared>>) attributes {dimension_semantics = [#tpu.dimension_semantics<core_parallel>, #tpu.dimension_semantics<subcore_parallel>], iteration_bounds = array<i64: 2, 16>, scalar_prefetch = 0 : i64, scratch_operands = 7 : i64, tpu.core_type = #tpu.core_type<sc_vector_subcore>, window_params = [{transform_indices = #map}, {transform_indices = #map1}, {transform_indices = #map2}, {transform_indices = #map2}]} {
    %mul3A = arith.constant 640 : i32
    %mul3A_0 = arith.muli %arg1, %mul3A : i32
    "tpu.region"() ({
      %run_scoped3A = tpu.sem_alloc : memref<!tpu.dma_semaphore, #tpu.memory_space<semaphore_mem>>
      %dma_start3A_41 = arith.constant 0 : i32
      %dma_start3A_42 = arith.constant 0 : i32
      %dma_start3A_43 = tpu.memref_slice %arg4[%arg1, %dma_start3A_41, %dma_start3A_42] : memref<16x250x80xi32, #tpu.memory_space<hbm>> -> memref<1x250x80xi32, #tpu.memory_space<hbm>>
      %dma_start3A_44 = tpu.memref_squeeze %dma_start3A_43 : memref<1x250x80xi32, #tpu.memory_space<hbm>> -> memref<250x80xi32, #tpu.memory_space<hbm>>
      %dma_start3A_45 = arith.constant 0 : i32
      %dma_start3A_46 = arith.constant 0 : i32
      %dma_start3A_47 = tpu.memref_slice %arg4[%arg1, %dma_start3A_45, %dma_start3A_46] : memref<16x250x80xi32, #tpu.memory_space<hbm>> -> memref<1x250x80xi32, #tpu.memory_space<hbm>>
      %dma_start3A_48 = tpu.memref_squeeze %dma_start3A_47 : memref<1x250x80xi32, #tpu.memory_space<hbm>> -> memref<250x80xi32, #tpu.memory_space<hbm>>
      tpu.enqueue_dma source(%dma_start3A_48 : memref<250x80xi32, #tpu.memory_space<hbm>>) target(%arg7 : memref<250x80xi32, #tpu.memory_space<vmem>>) target_semaphore(%run_scoped3A : memref<!tpu.dma_semaphore, #tpu.memory_space<semaphore_mem>>)
      %dma_wait3A = arith.constant 0 : i32
      %dma_wait3A_49 = arith.constant 0 : i32
      %dma_wait3A_50 = tpu.memref_slice %arg4[%arg1, %dma_wait3A, %dma_wait3A_49] : memref<16x250x80xi32, #tpu.memory_space<hbm>> -> memref<1x250x80xi32, #tpu.memory_space<hbm>>
      %dma_wait3A_51 = tpu.memref_squeeze %dma_wait3A_50 : memref<1x250x80xi32, #tpu.memory_space<hbm>> -> memref<250x80xi32, #tpu.memory_space<hbm>>
      %dma_wait3A_52 = arith.constant 0 : i32
      %dma_wait3A_53 = arith.constant 0 : i32
      %dma_wait3A_54 = tpu.memref_slice %arg4[%arg1, %dma_wait3A_52, %dma_wait3A_53] : memref<16x250x80xi32, #tpu.memory_space<hbm>> -> memref<1x250x80xi32, #tpu.memory_space<hbm>>
      %dma_wait3A_55 = tpu.memref_squeeze %dma_wait3A_54 : memref<1x250x80xi32, #tpu.memory_space<hbm>> -> memref<250x80xi32, #tpu.memory_space<hbm>>
      tpu.wait_dma2 semaphore(%run_scoped3A : memref<!tpu.dma_semaphore, #tpu.memory_space<semaphore_mem>>) src(%dma_wait3A_55 : memref<250x80xi32, #tpu.memory_space<hbm>>) dst(%arg7 : memref<250x80xi32, #tpu.memory_space<vmem>>)
      tpu.yield
    }) : () -> ()
    %mul3A_1 = arith.constant 2 : i32
    %mul3A_2 = arith.muli %mul3A_1, %arg0 : i32
    %add3A = arith.constant 0 : i32
    %add3A_3 = arith.addi %mul3A_2, %add3A : i32
    %mul3A_4 = arith.constant 10240 : i32
    %mul3A_5 = arith.muli %add3A_3, %mul3A_4 : i32
    %add3A_6 = arith.addi %mul3A_5, %mul3A_0 : i32
    "tpu.region"() ({
      %run_scoped3A = tpu.sem_alloc : memref<!tpu.dma_semaphore, #tpu.memory_space<semaphore_mem>>
      %dma_start3A_41 = arith.constant 0 : i32
      %dma_start3A_42 = tpu.memref_slice %arg12[%mul3A_0, %dma_start3A_41] : memref<10240x64xf32, #tpu.memory_space<vmem_shared>> -> memref<640x64xf32, #tpu.memory_space<vmem_shared>>
      %dma_start3A_43 = arith.constant 0 : i32
      %dma_start3A_44 = tpu.memref_slice %arg2[%add3A_6, %dma_start3A_43] : memref<40960x64xf32, #tpu.memory_space<hbm>> -> memref<640x64xf32, #tpu.memory_space<hbm>>
      tpu.enqueue_dma source(%dma_start3A_44 : memref<640x64xf32, #tpu.memory_space<hbm>>) target(%dma_start3A_42 : memref<640x64xf32, #tpu.memory_space<vmem_shared>>) target_semaphore(%run_scoped3A : memref<!tpu.dma_semaphore, #tpu.memory_space<semaphore_mem>>)
      %dma_wait3A = arith.constant 0 : i32
      %dma_wait3A_45 = tpu.memref_slice %arg12[%mul3A_0, %dma_wait3A] : memref<10240x64xf32, #tpu.memory_space<vmem_shared>> -> memref<640x64xf32, #tpu.memory_space<vmem_shared>>
      %dma_wait3A_46 = arith.constant 0 : i32
      %dma_wait3A_47 = tpu.memref_slice %arg2[%add3A_6, %dma_wait3A_46] : memref<40960x64xf32, #tpu.memory_space<hbm>> -> memref<640x64xf32, #tpu.memory_space<hbm>>
      tpu.wait_dma2 semaphore(%run_scoped3A : memref<!tpu.dma_semaphore, #tpu.memory_space<semaphore_mem>>) src(%dma_wait3A_47 : memref<640x64xf32, #tpu.memory_space<hbm>>) dst(%dma_wait3A_45 : memref<640x64xf32, #tpu.memory_space<vmem_shared>>)
      tpu.yield
    }) : () -> ()
    "tpu.region"() ({
      %run_scoped3A = tpu.sem_alloc : memref<!tpu.dma_semaphore, #tpu.memory_space<semaphore_mem>>
      %dma_start3A_41 = arith.constant 0 : i32
      %dma_start3A_42 = arith.constant 0 : i32
      %dma_start3A_43 = tpu.memref_slice %arg3[%add3A_3, %arg1, %dma_start3A_41, %dma_start3A_42] : memref<4x16x250x80xi32, #tpu.memory_space<hbm>> -> memref<1x1x250x80xi32, #tpu.memory_space<hbm>>
      %dma_start3A_44 = tpu.memref_squeeze %dma_start3A_43 : memref<1x1x250x80xi32, #tpu.memory_space<hbm>> -> memref<250x80xi32, #tpu.memory_space<hbm>>
      %dma_start3A_45 = arith.constant 0 : i32
      %dma_start3A_46 = arith.constant 0 : i32
      %dma_start3A_47 = tpu.memref_slice %arg3[%add3A_3, %arg1, %dma_start3A_45, %dma_start3A_46] : memref<4x16x250x80xi32, #tpu.memory_space<hbm>> -> memref<1x1x250x80xi32, #tpu.memory_space<hbm>>
      %dma_start3A_48 = tpu.memref_squeeze %dma_start3A_47 : memref<1x1x250x80xi32, #tpu.memory_space<hbm>> -> memref<250x80xi32, #tpu.memory_space<hbm>>
      tpu.enqueue_dma source(%dma_start3A_48 : memref<250x80xi32, #tpu.memory_space<hbm>>) target(%arg6 : memref<250x80xi32, #tpu.memory_space<vmem>>) target_semaphore(%run_scoped3A : memref<!tpu.dma_semaphore, #tpu.memory_space<semaphore_mem>>)
      %dma_wait3A = arith.constant 0 : i32
      %dma_wait3A_49 = arith.constant 0 : i32
      %dma_wait3A_50 = tpu.memref_slice %arg3[%add3A_3, %arg1, %dma_wait3A, %dma_wait3A_49] : memref<4x16x250x80xi32, #tpu.memory_space<hbm>> -> memref<1x1x250x80xi32, #tpu.memory_space<hbm>>
      %dma_wait3A_51 = tpu.memref_squeeze %dma_wait3A_50 : memref<1x1x250x80xi32, #tpu.memory_space<hbm>> -> memref<250x80xi32, #tpu.memory_space<hbm>>
      %dma_wait3A_52 = arith.constant 0 : i32
      %dma_wait3A_53 = arith.constant 0 : i32
      %dma_wait3A_54 = tpu.memref_slice %arg3[%add3A_3, %arg1, %dma_wait3A_52, %dma_wait3A_53] : memref<4x16x250x80xi32, #tpu.memory_space<hbm>> -> memref<1x1x250x80xi32, #tpu.memory_space<hbm>>
      %dma_wait3A_55 = tpu.memref_squeeze %dma_wait3A_54 : memref<1x1x250x80xi32, #tpu.memory_space<hbm>> -> memref<250x80xi32, #tpu.memory_space<hbm>>
      tpu.wait_dma2 semaphore(%run_scoped3A : memref<!tpu.dma_semaphore, #tpu.memory_space<semaphore_mem>>) src(%dma_wait3A_55 : memref<250x80xi32, #tpu.memory_space<hbm>>) dst(%arg6 : memref<250x80xi32, #tpu.memory_space<vmem>>)
      tpu.yield
    }) : () -> ()
    %barrier3A = arith.constant 0 : index
    tpu.barrier barrier_id(%barrier3A)
    %dma_start3A = arith.constant 0 : i32
    %dma_start3A_7 = arith.constant 0 : i32
    %dma_start3A_8 = tpu.memref_slice %arg6[%dma_start3A, %dma_start3A_7] : memref<250x80xi32, #tpu.memory_space<vmem>> -> memref<1x80xi32, #tpu.memory_space<vmem>>
    %dma_start3A_9 = tpu.memref_squeeze %dma_start3A_8 : memref<1x80xi32, #tpu.memory_space<vmem>> -> memref<80xi32, #tpu.memory_space<vmem>>
    %dma_start3A_10 = arith.constant 0 : i32
    %dma_start3A_11 = arith.constant 0 : i32
    %dma_start3A_12 = tpu.memref_slice %arg2[%dma_start3A_10, %dma_start3A_11] : memref<40960x64xf32, #tpu.memory_space<hbm>> -> memref<40960x64xf32, #tpu.memory_space<hbm>>
    tpu.enqueue_indirect_dma source(%dma_start3A_12 : memref<40960x64xf32, #tpu.memory_space<hbm>>) target(%arg8 : memref<80x64xf32, #tpu.memory_space<vmem>>) offsets(%dma_start3A_9 : memref<80xi32, #tpu.memory_space<vmem>>) semaphore(%arg10 : memref<!tpu.dma_semaphore, #tpu.memory_space<semaphore_mem>>)
    %scan3A = arith.constant 0 : i32
    %scan3A_13 = arith.constant 0 : i32
    %scan3A_14 = arith.constant 125 : i32
    %scan3A_15 = arith.addi %scan3A_13, %scan3A_14 : i32
    %scan3A_16 = arith.constant 1 : i32
    scf.for %scan3A_41 = %scan3A_13 to %scan3A_15 step %scan3A_16  : i32 {
      %mul3A_42 = arith.constant 2 : i32
      %mul3A_43 = arith.muli %mul3A_42, %scan3A_41 : i32
      %add3A_44 = arith.constant 1 : i32
      %add3A_45 = arith.addi %mul3A_43, %add3A_44 : i32
      %lt3A = arith.constant 250 : i32
      %lt3A_46 = arith.cmpi slt, %add3A_45, %lt3A : i32
      %convert_element_type3A = arith.extui %lt3A_46 : i1 to i32
      %cond3A = arith.constant 0 : i32
      %cond3A_47 = arith.cmpi ne, %convert_element_type3A, %cond3A : i32
      scf.if %cond3A_47 {
        %add3A_72 = arith.constant 1 : i32
        %add3A_73 = arith.addi %mul3A_43, %add3A_72 : i32
        %dma_start3A_74 = arith.constant 0 : i32
        %dma_start3A_75 = tpu.memref_slice %arg6[%add3A_73, %dma_start3A_74] : memref<250x80xi32, #tpu.memory_space<vmem>> -> memref<1x80xi32, #tpu.memory_space<vmem>>
        %dma_start3A_76 = tpu.memref_squeeze %dma_start3A_75 : memref<1x80xi32, #tpu.memory_space<vmem>> -> memref<80xi32, #tpu.memory_space<vmem>>
        %dma_start3A_77 = arith.constant 0 : i32
        %dma_start3A_78 = arith.constant 0 : i32
        %dma_start3A_79 = tpu.memref_slice %arg2[%dma_start3A_77, %dma_start3A_78] : memref<40960x64xf32, #tpu.memory_space<hbm>> -> memref<40960x64xf32, #tpu.memory_space<hbm>>
        tpu.enqueue_indirect_dma source(%dma_start3A_79 : memref<40960x64xf32, #tpu.memory_space<hbm>>) target(%arg9 : memref<80x64xf32, #tpu.memory_space<vmem>>) offsets(%dma_start3A_76 : memref<80xi32, #tpu.memory_space<vmem>>) semaphore(%arg11 : memref<!tpu.dma_semaphore, #tpu.memory_space<semaphore_mem>>)
      } else {
      }
      %dma_wait3A = arith.constant 0 : i32
      %dma_wait3A_48 = arith.constant 0 : i32
      %dma_wait3A_49 = tpu.memref_slice %arg6[%dma_wait3A, %dma_wait3A_48] : memref<250x80xi32, #tpu.memory_space<vmem>> -> memref<1x80xi32, #tpu.memory_space<vmem>>
      %dma_wait3A_50 = tpu.memref_squeeze %dma_wait3A_49 : memref<1x80xi32, #tpu.memory_space<vmem>> -> memref<80xi32, #tpu.memory_space<vmem>>
      %dma_wait3A_51 = arith.constant 0 : i32
      %dma_wait3A_52 = arith.constant 0 : i32
      %dma_wait3A_53 = tpu.memref_slice %arg2[%dma_wait3A_51, %dma_wait3A_52] : memref<40960x64xf32, #tpu.memory_space<hbm>> -> memref<40960x64xf32, #tpu.memory_space<hbm>>
      tpu.wait_indirect_dma semaphore(%arg10 : memref<!tpu.dma_semaphore, #tpu.memory_space<semaphore_mem>>) src(%dma_wait3A_53 : memref<40960x64xf32, #tpu.memory_space<hbm>>) dst(%arg8 : memref<80x64xf32, #tpu.memory_space<vmem>>)
      "tpu.region"() ({
        %run_scoped3A = tpu.sem_alloc : memref<!tpu.dma_semaphore, #tpu.memory_space<semaphore_mem>>
        %dma_start3A_72 = arith.constant 0 : i32
        %dma_start3A_73 = tpu.memref_slice %arg7[%mul3A_43, %dma_start3A_72] : memref<250x80xi32, #tpu.memory_space<vmem>> -> memref<1x80xi32, #tpu.memory_space<vmem>>
        %dma_start3A_74 = tpu.memref_squeeze %dma_start3A_73 : memref<1x80xi32, #tpu.memory_space<vmem>> -> memref<80xi32, #tpu.memory_space<vmem>>
        %dma_start3A_75 = arith.constant 0 : i32
        %dma_start3A_76 = arith.constant 0 : i32
        %dma_start3A_77 = tpu.memref_slice %arg12[%dma_start3A_75, %dma_start3A_76] : memref<10240x64xf32, #tpu.memory_space<vmem_shared>> -> memref<10240x64xf32, #tpu.memory_space<vmem_shared>>
        tpu.enqueue_indirect_dma source(%arg8 : memref<80x64xf32, #tpu.memory_space<vmem>>) target(%dma_start3A_77 : memref<10240x64xf32, #tpu.memory_space<vmem_shared>>) offsets(%dma_start3A_74 : memref<80xi32, #tpu.memory_space<vmem>>) semaphore(%run_scoped3A : memref<!tpu.dma_semaphore, #tpu.memory_space<semaphore_mem>>) {add = true}
        %dma_wait3A_78 = arith.constant 0 : i32
        %dma_wait3A_79 = tpu.memref_slice %arg7[%mul3A_43, %dma_wait3A_78] : memref<250x80xi32, #tpu.memory_space<vmem>> -> memref<1x80xi32, #tpu.memory_space<vmem>>
        %dma_wait3A_80 = tpu.memref_squeeze %dma_wait3A_79 : memref<1x80xi32, #tpu.memory_space<vmem>> -> memref<80xi32, #tpu.memory_space<vmem>>
        %dma_wait3A_81 = arith.constant 0 : i32
        %dma_wait3A_82 = arith.constant 0 : i32
        %dma_wait3A_83 = tpu.memref_slice %arg12[%dma_wait3A_81, %dma_wait3A_82] : memref<10240x64xf32, #tpu.memory_space<vmem_shared>> -> memref<10240x64xf32, #tpu.memory_space<vmem_shared>>
        tpu.wait_indirect_dma semaphore(%run_scoped3A : memref<!tpu.dma_semaphore, #tpu.memory_space<semaphore_mem>>) src(%arg8 : memref<80x64xf32, #tpu.memory_space<vmem>>) dst(%dma_wait3A_83 : memref<10240x64xf32, #tpu.memory_space<vmem_shared>>)
        tpu.yield
      }) : () -> ()
      %mul3A_54 = arith.constant 2 : i32
      %mul3A_55 = arith.muli %mul3A_54, %scan3A_41 : i32
      %add3A_56 = arith.constant 1 : i32
      %add3A_57 = arith.addi %mul3A_55, %add3A_56 : i32
      %add3A_58 = arith.constant 1 : i32
      %add3A_59 = arith.addi %add3A_57, %add3A_58 : i32
      %lt3A_60 = arith.constant 250 : i32
      %lt3A_61 = arith.cmpi slt, %add3A_59, %lt3A_60 : i32
      %convert_element_type3A_62 = arith.extui %lt3A_61 : i1 to i32
      %cond3A_63 = arith.constant 0 : i32
      %cond3A_64 = arith.cmpi ne, %convert_element_type3A_62, %cond3A_63 : i32
      scf.if %cond3A_64 {
        %add3A_72 = arith.constant 1 : i32
        %add3A_73 = arith.addi %add3A_57, %add3A_72 : i32
        %dma_start3A_74 = arith.constant 0 : i32
        %dma_start3A_75 = tpu.memref_slice %arg6[%add3A_73, %dma_start3A_74] : memref<250x80xi32, #tpu.memory_space<vmem>> -> memref<1x80xi32, #tpu.memory_space<vmem>>
        %dma_start3A_76 = tpu.memref_squeeze %dma_start3A_75 : memref<1x80xi32, #tpu.memory_space<vmem>> -> memref<80xi32, #tpu.memory_space<vmem>>
        %dma_start3A_77 = arith.constant 0 : i32
        %dma_start3A_78 = arith.constant 0 : i32
        %dma_start3A_79 = tpu.memref_slice %arg2[%dma_start3A_77, %dma_start3A_78] : memref<40960x64xf32, #tpu.memory_space<hbm>> -> memref<40960x64xf32, #tpu.memory_space<hbm>>
        tpu.enqueue_indirect_dma source(%dma_start3A_79 : memref<40960x64xf32, #tpu.memory_space<hbm>>) target(%arg8 : memref<80x64xf32, #tpu.memory_space<vmem>>) offsets(%dma_start3A_76 : memref<80xi32, #tpu.memory_space<vmem>>) semaphore(%arg10 : memref<!tpu.dma_semaphore, #tpu.memory_space<semaphore_mem>>)
      } else {
      }
      %dma_wait3A_65 = arith.constant 0 : i32
      %dma_wait3A_66 = arith.constant 0 : i32
      %dma_wait3A_67 = tpu.memref_slice %arg6[%dma_wait3A_65, %dma_wait3A_66] : memref<250x80xi32, #tpu.memory_space<vmem>> -> memref<1x80xi32, #tpu.memory_space<vmem>>
      %dma_wait3A_68 = tpu.memref_squeeze %dma_wait3A_67 : memref<1x80xi32, #tpu.memory_space<vmem>> -> memref<80xi32, #tpu.memory_space<vmem>>
      %dma_wait3A_69 = arith.constant 0 : i32
      %dma_wait3A_70 = arith.constant 0 : i32
      %dma_wait3A_71 = tpu.memref_slice %arg2[%dma_wait3A_69, %dma_wait3A_70] : memref<40960x64xf32, #tpu.memory_space<hbm>> -> memref<40960x64xf32, #tpu.memory_space<hbm>>
      tpu.wait_indirect_dma semaphore(%arg11 : memref<!tpu.dma_semaphore, #tpu.memory_space<semaphore_mem>>) src(%dma_wait3A_71 : memref<40960x64xf32, #tpu.memory_space<hbm>>) dst(%arg9 : memref<80x64xf32, #tpu.memory_space<vmem>>)
      "tpu.region"() ({
        %run_scoped3A = tpu.sem_alloc : memref<!tpu.dma_semaphore, #tpu.memory_space<semaphore_mem>>
        %dma_start3A_72 = arith.constant 0 : i32
        %dma_start3A_73 = tpu.memref_slice %arg7[%add3A_57, %dma_start3A_72] : memref<250x80xi32, #tpu.memory_space<vmem>> -> memref<1x80xi32, #tpu.memory_space<vmem>>
        %dma_start3A_74 = tpu.memref_squeeze %dma_start3A_73 : memref<1x80xi32, #tpu.memory_space<vmem>> -> memref<80xi32, #tpu.memory_space<vmem>>
        %dma_start3A_75 = arith.constant 0 : i32
        %dma_start3A_76 = arith.constant 0 : i32
        %dma_start3A_77 = tpu.memref_slice %arg12[%dma_start3A_75, %dma_start3A_76] : memref<10240x64xf32, #tpu.memory_space<vmem_shared>> -> memref<10240x64xf32, #tpu.memory_space<vmem_shared>>
        tpu.enqueue_indirect_dma source(%arg9 : memref<80x64xf32, #tpu.memory_space<vmem>>) target(%dma_start3A_77 : memref<10240x64xf32, #tpu.memory_space<vmem_shared>>) offsets(%dma_start3A_74 : memref<80xi32, #tpu.memory_space<vmem>>) semaphore(%run_scoped3A : memref<!tpu.dma_semaphore, #tpu.memory_space<semaphore_mem>>) {add = true}
        %dma_wait3A_78 = arith.constant 0 : i32
        %dma_wait3A_79 = tpu.memref_slice %arg7[%add3A_57, %dma_wait3A_78] : memref<250x80xi32, #tpu.memory_space<vmem>> -> memref<1x80xi32, #tpu.memory_space<vmem>>
        %dma_wait3A_80 = tpu.memref_squeeze %dma_wait3A_79 : memref<1x80xi32, #tpu.memory_space<vmem>> -> memref<80xi32, #tpu.memory_space<vmem>>
        %dma_wait3A_81 = arith.constant 0 : i32
        %dma_wait3A_82 = arith.constant 0 : i32
        %dma_wait3A_83 = tpu.memref_slice %arg12[%dma_wait3A_81, %dma_wait3A_82] : memref<10240x64xf32, #tpu.memory_space<vmem_shared>> -> memref<10240x64xf32, #tpu.memory_space<vmem_shared>>
        tpu.wait_indirect_dma semaphore(%run_scoped3A : memref<!tpu.dma_semaphore, #tpu.memory_space<semaphore_mem>>) src(%arg9 : memref<80x64xf32, #tpu.memory_space<vmem>>) dst(%dma_wait3A_83 : memref<10240x64xf32, #tpu.memory_space<vmem_shared>>)
        tpu.yield
      }) : () -> ()
    }
    %scan3A_17 = arith.constant 125 : i32
    %barrier3A_18 = arith.constant 0 : index
    tpu.barrier barrier_id(%barrier3A_18)
    "tpu.region"() ({
      %run_scoped3A = tpu.sem_alloc : memref<!tpu.dma_semaphore, #tpu.memory_space<semaphore_mem>>
      %dma_start3A_41 = arith.constant 0 : i32
      %dma_start3A_42 = tpu.memref_slice %arg5[%add3A_3, %mul3A_0, %dma_start3A_41] : memref<4x10240x64xf32, #tpu.memory_space<hbm>> -> memref<1x640x64xf32, #tpu.memory_space<hbm>>
      %dma_start3A_43 = tpu.memref_squeeze %dma_start3A_42 : memref<1x640x64xf32, #tpu.memory_space<hbm>> -> memref<640x64xf32, #tpu.memory_space<hbm>>
      %dma_start3A_44 = arith.constant 0 : i32
      %dma_start3A_45 = tpu.memref_slice %arg12[%mul3A_0, %dma_start3A_44] : memref<10240x64xf32, #tpu.memory_space<vmem_shared>> -> memref<640x64xf32, #tpu.memory_space<vmem_shared>>
      tpu.enqueue_dma source(%dma_start3A_45 : memref<640x64xf32, #tpu.memory_space<vmem_shared>>) target(%dma_start3A_43 : memref<640x64xf32, #tpu.memory_space<hbm>>) target_semaphore(%run_scoped3A : memref<!tpu.dma_semaphore, #tpu.memory_space<semaphore_mem>>)
      %dma_wait3A = arith.constant 0 : i32
      %dma_wait3A_46 = tpu.memref_slice %arg5[%add3A_3, %mul3A_0, %dma_wait3A] : memref<4x10240x64xf32, #tpu.memory_space<hbm>> -> memref<1x640x64xf32, #tpu.memory_space<hbm>>
      %dma_wait3A_47 = tpu.memref_squeeze %dma_wait3A_46 : memref<1x640x64xf32, #tpu.memory_space<hbm>> -> memref<640x64xf32, #tpu.memory_space<hbm>>
      %dma_wait3A_48 = arith.constant 0 : i32
      %dma_wait3A_49 = tpu.memref_slice %arg12[%mul3A_0, %dma_wait3A_48] : memref<10240x64xf32, #tpu.memory_space<vmem_shared>> -> memref<640x64xf32, #tpu.memory_space<vmem_shared>>
      tpu.wait_dma2 semaphore(%run_scoped3A : memref<!tpu.dma_semaphore, #tpu.memory_space<semaphore_mem>>) src(%dma_wait3A_49 : memref<640x64xf32, #tpu.memory_space<vmem_shared>>) dst(%dma_wait3A_47 : memref<640x64xf32, #tpu.memory_space<hbm>>)
      tpu.yield
    }) : () -> ()
    %mul3A_19 = arith.constant 2 : i32
    %mul3A_20 = arith.muli %mul3A_19, %arg0 : i32
    %add3A_21 = arith.constant 1 : i32
    %add3A_22 = arith.addi %mul3A_20, %add3A_21 : i32
    %mul3A_23 = arith.constant 10240 : i32
    %mul3A_24 = arith.muli %add3A_22, %mul3A_23 : i32
    %add3A_25 = arith.addi %mul3A_24, %mul3A_0 : i32
    "tpu.region"() ({
      %run_scoped3A = tpu.sem_alloc : memref<!tpu.dma_semaphore, #tpu.memory_space<semaphore_mem>>
      %dma_start3A_41 = arith.constant 0 : i32
      %dma_start3A_42 = tpu.memref_slice %arg12[%mul3A_0, %dma_start3A_41] : memref<10240x64xf32, #tpu.memory_space<vmem_shared>> -> memref<640x64xf32, #tpu.memory_space<vmem_shared>>
      %dma_start3A_43 = arith.constant 0 : i32
      %dma_start3A_44 = tpu.memref_slice %arg2[%add3A_25, %dma_start3A_43] : memref<40960x64xf32, #tpu.memory_space<hbm>> -> memref<640x64xf32, #tpu.memory_space<hbm>>
      tpu.enqueue_dma source(%dma_start3A_44 : memref<640x64xf32, #tpu.memory_space<hbm>>) target(%dma_start3A_42 : memref<640x64xf32, #tpu.memory_space<vmem_shared>>) target_semaphore(%run_scoped3A : memref<!tpu.dma_semaphore, #tpu.memory_space<semaphore_mem>>)
      %dma_wait3A = arith.constant 0 : i32
      %dma_wait3A_45 = tpu.memref_slice %arg12[%mul3A_0, %dma_wait3A] : memref<10240x64xf32, #tpu.memory_space<vmem_shared>> -> memref<640x64xf32, #tpu.memory_space<vmem_shared>>
      %dma_wait3A_46 = arith.constant 0 : i32
      %dma_wait3A_47 = tpu.memref_slice %arg2[%add3A_25, %dma_wait3A_46] : memref<40960x64xf32, #tpu.memory_space<hbm>> -> memref<640x64xf32, #tpu.memory_space<hbm>>
      tpu.wait_dma2 semaphore(%run_scoped3A : memref<!tpu.dma_semaphore, #tpu.memory_space<semaphore_mem>>) src(%dma_wait3A_47 : memref<640x64xf32, #tpu.memory_space<hbm>>) dst(%dma_wait3A_45 : memref<640x64xf32, #tpu.memory_space<vmem_shared>>)
      tpu.yield
    }) : () -> ()
    "tpu.region"() ({
      %run_scoped3A = tpu.sem_alloc : memref<!tpu.dma_semaphore, #tpu.memory_space<semaphore_mem>>
      %dma_start3A_41 = arith.constant 0 : i32
      %dma_start3A_42 = arith.constant 0 : i32
      %dma_start3A_43 = tpu.memref_slice %arg3[%add3A_22, %arg1, %dma_start3A_41, %dma_start3A_42] : memref<4x16x250x80xi32, #tpu.memory_space<hbm>> -> memref<1x1x250x80xi32, #tpu.memory_space<hbm>>
      %dma_start3A_44 = tpu.memref_squeeze %dma_start3A_43 : memref<1x1x250x80xi32, #tpu.memory_space<hbm>> -> memref<250x80xi32, #tpu.memory_space<hbm>>
      %dma_start3A_45 = arith.constant 0 : i32
      %dma_start3A_46 = arith.constant 0 : i32
      %dma_start3A_47 = tpu.memref_slice %arg3[%add3A_22, %arg1, %dma_start3A_45, %dma_start3A_46] : memref<4x16x250x80xi32, #tpu.memory_space<hbm>> -> memref<1x1x250x80xi32, #tpu.memory_space<hbm>>
      %dma_start3A_48 = tpu.memref_squeeze %dma_start3A_47 : memref<1x1x250x80xi32, #tpu.memory_space<hbm>> -> memref<250x80xi32, #tpu.memory_space<hbm>>
      tpu.enqueue_dma source(%dma_start3A_48 : memref<250x80xi32, #tpu.memory_space<hbm>>) target(%arg6 : memref<250x80xi32, #tpu.memory_space<vmem>>) target_semaphore(%run_scoped3A : memref<!tpu.dma_semaphore, #tpu.memory_space<semaphore_mem>>)
      %dma_wait3A = arith.constant 0 : i32
      %dma_wait3A_49 = arith.constant 0 : i32
      %dma_wait3A_50 = tpu.memref_slice %arg3[%add3A_22, %arg1, %dma_wait3A, %dma_wait3A_49] : memref<4x16x250x80xi32, #tpu.memory_space<hbm>> -> memref<1x1x250x80xi32, #tpu.memory_space<hbm>>
      %dma_wait3A_51 = tpu.memref_squeeze %dma_wait3A_50 : memref<1x1x250x80xi32, #tpu.memory_space<hbm>> -> memref<250x80xi32, #tpu.memory_space<hbm>>
      %dma_wait3A_52 = arith.constant 0 : i32
      %dma_wait3A_53 = arith.constant 0 : i32
      %dma_wait3A_54 = tpu.memref_slice %arg3[%add3A_22, %arg1, %dma_wait3A_52, %dma_wait3A_53] : memref<4x16x250x80xi32, #tpu.memory_space<hbm>> -> memref<1x1x250x80xi32, #tpu.memory_space<hbm>>
      %dma_wait3A_55 = tpu.memref_squeeze %dma_wait3A_54 : memref<1x1x250x80xi32, #tpu.memory_space<hbm>> -> memref<250x80xi32, #tpu.memory_space<hbm>>
      tpu.wait_dma2 semaphore(%run_scoped3A : memref<!tpu.dma_semaphore, #tpu.memory_space<semaphore_mem>>) src(%dma_wait3A_55 : memref<250x80xi32, #tpu.memory_space<hbm>>) dst(%arg6 : memref<250x80xi32, #tpu.memory_space<vmem>>)
      tpu.yield
    }) : () -> ()
    %barrier3A_26 = arith.constant 0 : index
    tpu.barrier barrier_id(%barrier3A_26)
    %dma_start3A_27 = arith.constant 0 : i32
    %dma_start3A_28 = arith.constant 0 : i32
    %dma_start3A_29 = tpu.memref_slice %arg6[%dma_start3A_27, %dma_start3A_28] : memref<250x80xi32, #tpu.memory_space<vmem>> -> memref<1x80xi32, #tpu.memory_space<vmem>>
    %dma_start3A_30 = tpu.memref_squeeze %dma_start3A_29 : memref<1x80xi32, #tpu.memory_space<vmem>> -> memref<80xi32, #tpu.memory_space<vmem>>
    %dma_start3A_31 = arith.constant 0 : i32
    %dma_start3A_32 = arith.constant 0 : i32
    %dma_start3A_33 = tpu.memref_slice %arg2[%dma_start3A_31, %dma_start3A_32] : memref<40960x64xf32, #tpu.memory_space<hbm>> -> memref<40960x64xf32, #tpu.memory_space<hbm>>
    tpu.enqueue_indirect_dma source(%dma_start3A_33 : memref<40960x64xf32, #tpu.memory_space<hbm>>) target(%arg8 : memref<80x64xf32, #tpu.memory_space<vmem>>) offsets(%dma_start3A_30 : memref<80xi32, #tpu.memory_space<vmem>>) semaphore(%arg10 : memref<!tpu.dma_semaphore, #tpu.memory_space<semaphore_mem>>)
    %scan3A_34 = arith.constant 0 : i32
    %scan3A_35 = arith.constant 0 : i32
    %scan3A_36 = arith.constant 125 : i32
    %scan3A_37 = arith.addi %scan3A_35, %scan3A_36 : i32
    %scan3A_38 = arith.constant 1 : i32
    scf.for %scan3A_41 = %scan3A_35 to %scan3A_37 step %scan3A_38  : i32 {
      %mul3A_42 = arith.constant 2 : i32
      %mul3A_43 = arith.muli %mul3A_42, %scan3A_41 : i32
      %add3A_44 = arith.constant 1 : i32
      %add3A_45 = arith.addi %mul3A_43, %add3A_44 : i32
      %lt3A = arith.constant 250 : i32
      %lt3A_46 = arith.cmpi slt, %add3A_45, %lt3A : i32
      %convert_element_type3A = arith.extui %lt3A_46 : i1 to i32
      %cond3A = arith.constant 0 : i32
      %cond3A_47 = arith.cmpi ne, %convert_element_type3A, %cond3A : i32
      scf.if %cond3A_47 {
        %add3A_72 = arith.constant 1 : i32
        %add3A_73 = arith.addi %mul3A_43, %add3A_72 : i32
        %dma_start3A_74 = arith.constant 0 : i32
        %dma_start3A_75 = tpu.memref_slice %arg6[%add3A_73, %dma_start3A_74] : memref<250x80xi32, #tpu.memory_space<vmem>> -> memref<1x80xi32, #tpu.memory_space<vmem>>
        %dma_start3A_76 = tpu.memref_squeeze %dma_start3A_75 : memref<1x80xi32, #tpu.memory_space<vmem>> -> memref<80xi32, #tpu.memory_space<vmem>>
        %dma_start3A_77 = arith.constant 0 : i32
        %dma_start3A_78 = arith.constant 0 : i32
        %dma_start3A_79 = tpu.memref_slice %arg2[%dma_start3A_77, %dma_start3A_78] : memref<40960x64xf32, #tpu.memory_space<hbm>> -> memref<40960x64xf32, #tpu.memory_space<hbm>>
        tpu.enqueue_indirect_dma source(%dma_start3A_79 : memref<40960x64xf32, #tpu.memory_space<hbm>>) target(%arg9 : memref<80x64xf32, #tpu.memory_space<vmem>>) offsets(%dma_start3A_76 : memref<80xi32, #tpu.memory_space<vmem>>) semaphore(%arg11 : memref<!tpu.dma_semaphore, #tpu.memory_space<semaphore_mem>>)
      } else {
      }
      %dma_wait3A = arith.constant 0 : i32
      %dma_wait3A_48 = arith.constant 0 : i32
      %dma_wait3A_49 = tpu.memref_slice %arg6[%dma_wait3A, %dma_wait3A_48] : memref<250x80xi32, #tpu.memory_space<vmem>> -> memref<1x80xi32, #tpu.memory_space<vmem>>
      %dma_wait3A_50 = tpu.memref_squeeze %dma_wait3A_49 : memref<1x80xi32, #tpu.memory_space<vmem>> -> memref<80xi32, #tpu.memory_space<vmem>>
      %dma_wait3A_51 = arith.constant 0 : i32
      %dma_wait3A_52 = arith.constant 0 : i32
      %dma_wait3A_53 = tpu.memref_slice %arg2[%dma_wait3A_51, %dma_wait3A_52] : memref<40960x64xf32, #tpu.memory_space<hbm>> -> memref<40960x64xf32, #tpu.memory_space<hbm>>
      tpu.wait_indirect_dma semaphore(%arg10 : memref<!tpu.dma_semaphore, #tpu.memory_space<semaphore_mem>>) src(%dma_wait3A_53 : memref<40960x64xf32, #tpu.memory_space<hbm>>) dst(%arg8 : memref<80x64xf32, #tpu.memory_space<vmem>>)
      "tpu.region"() ({
        %run_scoped3A = tpu.sem_alloc : memref<!tpu.dma_semaphore, #tpu.memory_space<semaphore_mem>>
        %dma_start3A_72 = arith.constant 0 : i32
        %dma_start3A_73 = tpu.memref_slice %arg7[%mul3A_43, %dma_start3A_72] : memref<250x80xi32, #tpu.memory_space<vmem>> -> memref<1x80xi32, #tpu.memory_space<vmem>>
        %dma_start3A_74 = tpu.memref_squeeze %dma_start3A_73 : memref<1x80xi32, #tpu.memory_space<vmem>> -> memref<80xi32, #tpu.memory_space<vmem>>
        %dma_start3A_75 = arith.constant 0 : i32
        %dma_start3A_76 = arith.constant 0 : i32
        %dma_start3A_77 = tpu.memref_slice %arg12[%dma_start3A_75, %dma_start3A_76] : memref<10240x64xf32, #tpu.memory_space<vmem_shared>> -> memref<10240x64xf32, #tpu.memory_space<vmem_shared>>
        tpu.enqueue_indirect_dma source(%arg8 : memref<80x64xf32, #tpu.memory_space<vmem>>) target(%dma_start3A_77 : memref<10240x64xf32, #tpu.memory_space<vmem_shared>>) offsets(%dma_start3A_74 : memref<80xi32, #tpu.memory_space<vmem>>) semaphore(%run_scoped3A : memref<!tpu.dma_semaphore, #tpu.memory_space<semaphore_mem>>) {add = true}
        %dma_wait3A_78 = arith.constant 0 : i32
        %dma_wait3A_79 = tpu.memref_slice %arg7[%mul3A_43, %dma_wait3A_78] : memref<250x80xi32, #tpu.memory_space<vmem>> -> memref<1x80xi32, #tpu.memory_space<vmem>>
        %dma_wait3A_80 = tpu.memref_squeeze %dma_wait3A_79 : memref<1x80xi32, #tpu.memory_space<vmem>> -> memref<80xi32, #tpu.memory_space<vmem>>
        %dma_wait3A_81 = arith.constant 0 : i32
        %dma_wait3A_82 = arith.constant 0 : i32
        %dma_wait3A_83 = tpu.memref_slice %arg12[%dma_wait3A_81, %dma_wait3A_82] : memref<10240x64xf32, #tpu.memory_space<vmem_shared>> -> memref<10240x64xf32, #tpu.memory_space<vmem_shared>>
        tpu.wait_indirect_dma semaphore(%run_scoped3A : memref<!tpu.dma_semaphore, #tpu.memory_space<semaphore_mem>>) src(%arg8 : memref<80x64xf32, #tpu.memory_space<vmem>>) dst(%dma_wait3A_83 : memref<10240x64xf32, #tpu.memory_space<vmem_shared>>)
        tpu.yield
      }) : () -> ()
      %mul3A_54 = arith.constant 2 : i32
      %mul3A_55 = arith.muli %mul3A_54, %scan3A_41 : i32
      %add3A_56 = arith.constant 1 : i32
      %add3A_57 = arith.addi %mul3A_55, %add3A_56 : i32
      %add3A_58 = arith.constant 1 : i32
      %add3A_59 = arith.addi %add3A_57, %add3A_58 : i32
      %lt3A_60 = arith.constant 250 : i32
      %lt3A_61 = arith.cmpi slt, %add3A_59, %lt3A_60 : i32
      %convert_element_type3A_62 = arith.extui %lt3A_61 : i1 to i32
      %cond3A_63 = arith.constant 0 : i32
      %cond3A_64 = arith.cmpi ne, %convert_element_type3A_62, %cond3A_63 : i32
      scf.if %cond3A_64 {
        %add3A_72 = arith.constant 1 : i32
        %add3A_73 = arith.addi %add3A_57, %add3A_72 : i32
        %dma_start3A_74 = arith.constant 0 : i32
        %dma_start3A_75 = tpu.memref_slice %arg6[%add3A_73, %dma_start3A_74] : memref<250x80xi32, #tpu.memory_space<vmem>> -> memref<1x80xi32, #tpu.memory_space<vmem>>
        %dma_start3A_76 = tpu.memref_squeeze %dma_start3A_75 : memref<1x80xi32, #tpu.memory_space<vmem>> -> memref<80xi32, #tpu.memory_space<vmem>>
        %dma_start3A_77 = arith.constant 0 : i32
        %dma_start3A_78 = arith.constant 0 : i32
        %dma_start3A_79 = tpu.memref_slice %arg2[%dma_start3A_77, %dma_start3A_78] : memref<40960x64xf32, #tpu.memory_space<hbm>> -> memref<40960x64xf32, #tpu.memory_space<hbm>>
        tpu.enqueue_indirect_dma source(%dma_start3A_79 : memref<40960x64xf32, #tpu.memory_space<hbm>>) target(%arg8 : memref<80x64xf32, #tpu.memory_space<vmem>>) offsets(%dma_start3A_76 : memref<80xi32, #tpu.memory_space<vmem>>) semaphore(%arg10 : memref<!tpu.dma_semaphore, #tpu.memory_space<semaphore_mem>>)
      } else {
      }
      %dma_wait3A_65 = arith.constant 0 : i32
      %dma_wait3A_66 = arith.constant 0 : i32
      %dma_wait3A_67 = tpu.memref_slice %arg6[%dma_wait3A_65, %dma_wait3A_66] : memref<250x80xi32, #tpu.memory_space<vmem>> -> memref<1x80xi32, #tpu.memory_space<vmem>>
      %dma_wait3A_68 = tpu.memref_squeeze %dma_wait3A_67 : memref<1x80xi32, #tpu.memory_space<vmem>> -> memref<80xi32, #tpu.memory_space<vmem>>
      %dma_wait3A_69 = arith.constant 0 : i32
      %dma_wait3A_70 = arith.constant 0 : i32
      %dma_wait3A_71 = tpu.memref_slice %arg2[%dma_wait3A_69, %dma_wait3A_70] : memref<40960x64xf32, #tpu.memory_space<hbm>> -> memref<40960x64xf32, #tpu.memory_space<hbm>>
      tpu.wait_indirect_dma semaphore(%arg11 : memref<!tpu.dma_semaphore, #tpu.memory_space<semaphore_mem>>) src(%dma_wait3A_71 : memref<40960x64xf32, #tpu.memory_space<hbm>>) dst(%arg9 : memref<80x64xf32, #tpu.memory_space<vmem>>)
      "tpu.region"() ({
        %run_scoped3A = tpu.sem_alloc : memref<!tpu.dma_semaphore, #tpu.memory_space<semaphore_mem>>
        %dma_start3A_72 = arith.constant 0 : i32
        %dma_start3A_73 = tpu.memref_slice %arg7[%add3A_57, %dma_start3A_72] : memref<250x80xi32, #tpu.memory_space<vmem>> -> memref<1x80xi32, #tpu.memory_space<vmem>>
        %dma_start3A_74 = tpu.memref_squeeze %dma_start3A_73 : memref<1x80xi32, #tpu.memory_space<vmem>> -> memref<80xi32, #tpu.memory_space<vmem>>
        %dma_start3A_75 = arith.constant 0 : i32
        %dma_start3A_76 = arith.constant 0 : i32
        %dma_start3A_77 = tpu.memref_slice %arg12[%dma_start3A_75, %dma_start3A_76] : memref<10240x64xf32, #tpu.memory_space<vmem_shared>> -> memref<10240x64xf32, #tpu.memory_space<vmem_shared>>
        tpu.enqueue_indirect_dma source(%arg9 : memref<80x64xf32, #tpu.memory_space<vmem>>) target(%dma_start3A_77 : memref<10240x64xf32, #tpu.memory_space<vmem_shared>>) offsets(%dma_start3A_74 : memref<80xi32, #tpu.memory_space<vmem>>) semaphore(%run_scoped3A : memref<!tpu.dma_semaphore, #tpu.memory_space<semaphore_mem>>) {add = true}
        %dma_wait3A_78 = arith.constant 0 : i32
        %dma_wait3A_79 = tpu.memref_slice %arg7[%add3A_57, %dma_wait3A_78] : memref<250x80xi32, #tpu.memory_space<vmem>> -> memref<1x80xi32, #tpu.memory_space<vmem>>
        %dma_wait3A_80 = tpu.memref_squeeze %dma_wait3A_79 : memref<1x80xi32, #tpu.memory_space<vmem>> -> memref<80xi32, #tpu.memory_space<vmem>>
        %dma_wait3A_81 = arith.constant 0 : i32
        %dma_wait3A_82 = arith.constant 0 : i32
        %dma_wait3A_83 = tpu.memref_slice %arg12[%dma_wait3A_81, %dma_wait3A_82] : memref<10240x64xf32, #tpu.memory_space<vmem_shared>> -> memref<10240x64xf32, #tpu.memory_space<vmem_shared>>
        tpu.wait_indirect_dma semaphore(%run_scoped3A : memref<!tpu.dma_semaphore, #tpu.memory_space<semaphore_mem>>) src(%arg9 : memref<80x64xf32, #tpu.memory_space<vmem>>) dst(%dma_wait3A_83 : memref<10240x64xf32, #tpu.memory_space<vmem_shared>>)
        tpu.yield
      }) : () -> ()
    }
    %scan3A_39 = arith.constant 125 : i32
    %barrier3A_40 = arith.constant 0 : index
    tpu.barrier barrier_id(%barrier3A_40)
    "tpu.region"() ({
      %run_scoped3A = tpu.sem_alloc : memref<!tpu.dma_semaphore, #tpu.memory_space<semaphore_mem>>
      %dma_start3A_41 = arith.constant 0 : i32
      %dma_start3A_42 = tpu.memref_slice %arg5[%add3A_22, %mul3A_0, %dma_start3A_41] : memref<4x10240x64xf32, #tpu.memory_space<hbm>> -> memref<1x640x64xf32, #tpu.memory_space<hbm>>
      %dma_start3A_43 = tpu.memref_squeeze %dma_start3A_42 : memref<1x640x64xf32, #tpu.memory_space<hbm>> -> memref<640x64xf32, #tpu.memory_space<hbm>>
      %dma_start3A_44 = arith.constant 0 : i32
      %dma_start3A_45 = tpu.memref_slice %arg12[%mul3A_0, %dma_start3A_44] : memref<10240x64xf32, #tpu.memory_space<vmem_shared>> -> memref<640x64xf32, #tpu.memory_space<vmem_shared>>
      tpu.enqueue_dma source(%dma_start3A_45 : memref<640x64xf32, #tpu.memory_space<vmem_shared>>) target(%dma_start3A_43 : memref<640x64xf32, #tpu.memory_space<hbm>>) target_semaphore(%run_scoped3A : memref<!tpu.dma_semaphore, #tpu.memory_space<semaphore_mem>>)
      %dma_wait3A = arith.constant 0 : i32
      %dma_wait3A_46 = tpu.memref_slice %arg5[%add3A_22, %mul3A_0, %dma_wait3A] : memref<4x10240x64xf32, #tpu.memory_space<hbm>> -> memref<1x640x64xf32, #tpu.memory_space<hbm>>
      %dma_wait3A_47 = tpu.memref_squeeze %dma_wait3A_46 : memref<1x640x64xf32, #tpu.memory_space<hbm>> -> memref<640x64xf32, #tpu.memory_space<hbm>>
      %dma_wait3A_48 = arith.constant 0 : i32
      %dma_wait3A_49 = tpu.memref_slice %arg12[%mul3A_0, %dma_wait3A_48] : memref<10240x64xf32, #tpu.memory_space<vmem_shared>> -> memref<640x64xf32, #tpu.memory_space<vmem_shared>>
      tpu.wait_dma2 semaphore(%run_scoped3A : memref<!tpu.dma_semaphore, #tpu.memory_space<semaphore_mem>>) src(%dma_wait3A_49 : memref<640x64xf32, #tpu.memory_space<vmem_shared>>) dst(%dma_wait3A_47 : memref<640x64xf32, #tpu.memory_space<hbm>>)
      tpu.yield
    }) : () -> ()
    return
  }
}

#map = affine_map<(d0, d1) -> (0, 0)>
#map1 = affine_map<(d0, d1) -> (0, 0, 0, 0)>
#map2 = affine_map<(d0, d1) -> (0, 0, 0)>
module attributes {stable_mosaic.version = 14 : i64} {
  func.func @agg_k(%arg0: i32, %arg1: i32, %arg2: memref<40960x64xf32, #tpu.memory_space<hbm>>, %arg3: memref<4x16x250x80xi32, #tpu.memory_space<hbm>>, %arg4: memref<16x250x80xi32, #tpu.memory_space<hbm>>, %arg5: memref<4x10240x64xf32, #tpu.memory_space<hbm>>, %arg6: memref<250x80xi32, #tpu.memory_space<vmem>>, %arg7: memref<250x80xi32, #tpu.memory_space<vmem>>, %arg8: memref<80x64xf32, #tpu.memory_space<vmem>>, %arg9: memref<80x64xf32, #tpu.memory_space<vmem>>, %arg10: memref<!tpu.dma_semaphore, #tpu.memory_space<semaphore_mem>>, %arg11: memref<!tpu.dma_semaphore, #tpu.memory_space<semaphore_mem>>, %arg12: memref<10240x64xf32, #tpu.memory_space<vmem_shared>>) attributes {dimension_semantics = [#tpu.dimension_semantics<core_parallel>, #tpu.dimension_semantics<subcore_parallel>], iteration_bounds = array<i64: 2, 16>, scalar_prefetch = 0 : i64, scratch_operands = 7 : i64, tpu.core_type = #tpu.core_type<sc_vector_subcore>, window_params = [{transform_indices = #map}, {transform_indices = #map1}, {transform_indices = #map2}, {transform_indices = #map2}]} {
    %mul3A = arith.constant 640 : i32
    %mul3A_0 = arith.muli %arg1, %mul3A : i32
    "tpu.region"() ({
      %run_scoped3A = tpu.sem_alloc : memref<!tpu.dma_semaphore, #tpu.memory_space<semaphore_mem>>
      %dma_start3A_41 = arith.constant 0 : i32
      %dma_start3A_42 = arith.constant 0 : i32
      %dma_start3A_43 = tpu.memref_slice %arg4[%arg1, %dma_start3A_41, %dma_start3A_42] : memref<16x250x80xi32, #tpu.memory_space<hbm>> -> memref<1x250x80xi32, #tpu.memory_space<hbm>>
      %dma_start3A_44 = tpu.memref_squeeze %dma_start3A_43 : memref<1x250x80xi32, #tpu.memory_space<hbm>> -> memref<250x80xi32, #tpu.memory_space<hbm>>
      %dma_start3A_45 = arith.constant 0 : i32
      %dma_start3A_46 = arith.constant 0 : i32
      %dma_start3A_47 = tpu.memref_slice %arg4[%arg1, %dma_start3A_45, %dma_start3A_46] : memref<16x250x80xi32, #tpu.memory_space<hbm>> -> memref<1x250x80xi32, #tpu.memory_space<hbm>>
      %dma_start3A_48 = tpu.memref_squeeze %dma_start3A_47 : memref<1x250x80xi32, #tpu.memory_space<hbm>> -> memref<250x80xi32, #tpu.memory_space<hbm>>
      tpu.enqueue_dma source(%dma_start3A_48 : memref<250x80xi32, #tpu.memory_space<hbm>>) target(%arg7 : memref<250x80xi32, #tpu.memory_space<vmem>>) target_semaphore(%run_scoped3A : memref<!tpu.dma_semaphore, #tpu.memory_space<semaphore_mem>>)
      %dma_wait3A = arith.constant 0 : i32
      %dma_wait3A_49 = arith.constant 0 : i32
      %dma_wait3A_50 = tpu.memref_slice %arg4[%arg1, %dma_wait3A, %dma_wait3A_49] : memref<16x250x80xi32, #tpu.memory_space<hbm>> -> memref<1x250x80xi32, #tpu.memory_space<hbm>>
      %dma_wait3A_51 = tpu.memref_squeeze %dma_wait3A_50 : memref<1x250x80xi32, #tpu.memory_space<hbm>> -> memref<250x80xi32, #tpu.memory_space<hbm>>
      %dma_wait3A_52 = arith.constant 0 : i32
      %dma_wait3A_53 = arith.constant 0 : i32
      %dma_wait3A_54 = tpu.memref_slice %arg4[%arg1, %dma_wait3A_52, %dma_wait3A_53] : memref<16x250x80xi32, #tpu.memory_space<hbm>> -> memref<1x250x80xi32, #tpu.memory_space<hbm>>
      %dma_wait3A_55 = tpu.memref_squeeze %dma_wait3A_54 : memref<1x250x80xi32, #tpu.memory_space<hbm>> -> memref<250x80xi32, #tpu.memory_space<hbm>>
      tpu.wait_dma2 semaphore(%run_scoped3A : memref<!tpu.dma_semaphore, #tpu.memory_space<semaphore_mem>>) src(%dma_wait3A_55 : memref<250x80xi32, #tpu.memory_space<hbm>>) dst(%arg7 : memref<250x80xi32, #tpu.memory_space<vmem>>)
      tpu.yield
    }) : () -> ()
    %mul3A_1 = arith.constant 2 : i32
    %mul3A_2 = arith.muli %mul3A_1, %arg0 : i32
    %add3A = arith.constant 0 : i32
    %add3A_3 = arith.addi %mul3A_2, %add3A : i32
    %mul3A_4 = arith.constant 10240 : i32
    %mul3A_5 = arith.muli %add3A_3, %mul3A_4 : i32
    %add3A_6 = arith.addi %mul3A_5, %mul3A_0 : i32
    "tpu.region"() ({
      %run_scoped3A = tpu.sem_alloc : memref<!tpu.dma_semaphore, #tpu.memory_space<semaphore_mem>>
      %dma_start3A_41 = arith.constant 0 : i32
      %dma_start3A_42 = tpu.memref_slice %arg12[%mul3A_0, %dma_start3A_41] : memref<10240x64xf32, #tpu.memory_space<vmem_shared>> -> memref<640x64xf32, #tpu.memory_space<vmem_shared>>
      %dma_start3A_43 = arith.constant 0 : i32
      %dma_start3A_44 = tpu.memref_slice %arg2[%add3A_6, %dma_start3A_43] : memref<40960x64xf32, #tpu.memory_space<hbm>> -> memref<640x64xf32, #tpu.memory_space<hbm>>
      tpu.enqueue_dma source(%dma_start3A_44 : memref<640x64xf32, #tpu.memory_space<hbm>>) target(%dma_start3A_42 : memref<640x64xf32, #tpu.memory_space<vmem_shared>>) target_semaphore(%run_scoped3A : memref<!tpu.dma_semaphore, #tpu.memory_space<semaphore_mem>>)
      %dma_wait3A = arith.constant 0 : i32
      %dma_wait3A_45 = tpu.memref_slice %arg12[%mul3A_0, %dma_wait3A] : memref<10240x64xf32, #tpu.memory_space<vmem_shared>> -> memref<640x64xf32, #tpu.memory_space<vmem_shared>>
      %dma_wait3A_46 = arith.constant 0 : i32
      %dma_wait3A_47 = tpu.memref_slice %arg2[%add3A_6, %dma_wait3A_46] : memref<40960x64xf32, #tpu.memory_space<hbm>> -> memref<640x64xf32, #tpu.memory_space<hbm>>
      tpu.wait_dma2 semaphore(%run_scoped3A : memref<!tpu.dma_semaphore, #tpu.memory_space<semaphore_mem>>) src(%dma_wait3A_47 : memref<640x64xf32, #tpu.memory_space<hbm>>) dst(%dma_wait3A_45 : memref<640x64xf32, #tpu.memory_space<vmem_shared>>)
      tpu.yield
    }) : () -> ()
    "tpu.region"() ({
      %run_scoped3A = tpu.sem_alloc : memref<!tpu.dma_semaphore, #tpu.memory_space<semaphore_mem>>
      %dma_start3A_41 = arith.constant 0 : i32
      %dma_start3A_42 = arith.constant 0 : i32
      %dma_start3A_43 = tpu.memref_slice %arg3[%add3A_3, %arg1, %dma_start3A_41, %dma_start3A_42] : memref<4x16x250x80xi32, #tpu.memory_space<hbm>> -> memref<1x1x250x80xi32, #tpu.memory_space<hbm>>
      %dma_start3A_44 = tpu.memref_squeeze %dma_start3A_43 : memref<1x1x250x80xi32, #tpu.memory_space<hbm>> -> memref<250x80xi32, #tpu.memory_space<hbm>>
      %dma_start3A_45 = arith.constant 0 : i32
      %dma_start3A_46 = arith.constant 0 : i32
      %dma_start3A_47 = tpu.memref_slice %arg3[%add3A_3, %arg1, %dma_start3A_45, %dma_start3A_46] : memref<4x16x250x80xi32, #tpu.memory_space<hbm>> -> memref<1x1x250x80xi32, #tpu.memory_space<hbm>>
      %dma_start3A_48 = tpu.memref_squeeze %dma_start3A_47 : memref<1x1x250x80xi32, #tpu.memory_space<hbm>> -> memref<250x80xi32, #tpu.memory_space<hbm>>
      tpu.enqueue_dma source(%dma_start3A_48 : memref<250x80xi32, #tpu.memory_space<hbm>>) target(%arg6 : memref<250x80xi32, #tpu.memory_space<vmem>>) target_semaphore(%run_scoped3A : memref<!tpu.dma_semaphore, #tpu.memory_space<semaphore_mem>>)
      %dma_wait3A = arith.constant 0 : i32
      %dma_wait3A_49 = arith.constant 0 : i32
      %dma_wait3A_50 = tpu.memref_slice %arg3[%add3A_3, %arg1, %dma_wait3A, %dma_wait3A_49] : memref<4x16x250x80xi32, #tpu.memory_space<hbm>> -> memref<1x1x250x80xi32, #tpu.memory_space<hbm>>
      %dma_wait3A_51 = tpu.memref_squeeze %dma_wait3A_50 : memref<1x1x250x80xi32, #tpu.memory_space<hbm>> -> memref<250x80xi32, #tpu.memory_space<hbm>>
      %dma_wait3A_52 = arith.constant 0 : i32
      %dma_wait3A_53 = arith.constant 0 : i32
      %dma_wait3A_54 = tpu.memref_slice %arg3[%add3A_3, %arg1, %dma_wait3A_52, %dma_wait3A_53] : memref<4x16x250x80xi32, #tpu.memory_space<hbm>> -> memref<1x1x250x80xi32, #tpu.memory_space<hbm>>
      %dma_wait3A_55 = tpu.memref_squeeze %dma_wait3A_54 : memref<1x1x250x80xi32, #tpu.memory_space<hbm>> -> memref<250x80xi32, #tpu.memory_space<hbm>>
      tpu.wait_dma2 semaphore(%run_scoped3A : memref<!tpu.dma_semaphore, #tpu.memory_space<semaphore_mem>>) src(%dma_wait3A_55 : memref<250x80xi32, #tpu.memory_space<hbm>>) dst(%arg6 : memref<250x80xi32, #tpu.memory_space<vmem>>)
      tpu.yield
    }) : () -> ()
    %barrier3A = arith.constant 0 : index
    tpu.barrier barrier_id(%barrier3A)
    %dma_start3A = arith.constant 0 : i32
    %dma_start3A_7 = arith.constant 0 : i32
    %dma_start3A_8 = tpu.memref_slice %arg6[%dma_start3A, %dma_start3A_7] : memref<250x80xi32, #tpu.memory_space<vmem>> -> memref<1x80xi32, #tpu.memory_space<vmem>>
    %dma_start3A_9 = tpu.memref_squeeze %dma_start3A_8 : memref<1x80xi32, #tpu.memory_space<vmem>> -> memref<80xi32, #tpu.memory_space<vmem>>
    %dma_start3A_10 = arith.constant 0 : i32
    %dma_start3A_11 = arith.constant 0 : i32
    %dma_start3A_12 = tpu.memref_slice %arg2[%dma_start3A_10, %dma_start3A_11] : memref<40960x64xf32, #tpu.memory_space<hbm>> -> memref<40960x64xf32, #tpu.memory_space<hbm>>
    tpu.enqueue_indirect_dma source(%dma_start3A_12 : memref<40960x64xf32, #tpu.memory_space<hbm>>) target(%arg8 : memref<80x64xf32, #tpu.memory_space<vmem>>) offsets(%dma_start3A_9 : memref<80xi32, #tpu.memory_space<vmem>>) semaphore(%arg10 : memref<!tpu.dma_semaphore, #tpu.memory_space<semaphore_mem>>)
    %scan3A = arith.constant 0 : i32
    %scan3A_13 = arith.constant 0 : i32
    %scan3A_14 = arith.constant 125 : i32
    %scan3A_15 = arith.addi %scan3A_13, %scan3A_14 : i32
    %scan3A_16 = arith.constant 1 : i32
    scf.for %scan3A_41 = %scan3A_13 to %scan3A_15 step %scan3A_16  : i32 {
      %mul3A_42 = arith.constant 2 : i32
      %mul3A_43 = arith.muli %mul3A_42, %scan3A_41 : i32
      %add3A_44 = arith.constant 1 : i32
      %add3A_45 = arith.addi %mul3A_43, %add3A_44 : i32
      %lt3A = arith.constant 250 : i32
      %lt3A_46 = arith.cmpi slt, %add3A_45, %lt3A : i32
      %convert_element_type3A = arith.extui %lt3A_46 : i1 to i32
      %cond3A = arith.constant 0 : i32
      %cond3A_47 = arith.cmpi ne, %convert_element_type3A, %cond3A : i32
      scf.if %cond3A_47 {
        %add3A_72 = arith.constant 1 : i32
        %add3A_73 = arith.addi %mul3A_43, %add3A_72 : i32
        %dma_start3A_74 = arith.constant 0 : i32
        %dma_start3A_75 = tpu.memref_slice %arg6[%add3A_73, %dma_start3A_74] : memref<250x80xi32, #tpu.memory_space<vmem>> -> memref<1x80xi32, #tpu.memory_space<vmem>>
        %dma_start3A_76 = tpu.memref_squeeze %dma_start3A_75 : memref<1x80xi32, #tpu.memory_space<vmem>> -> memref<80xi32, #tpu.memory_space<vmem>>
        %dma_start3A_77 = arith.constant 0 : i32
        %dma_start3A_78 = arith.constant 0 : i32
        %dma_start3A_79 = tpu.memref_slice %arg2[%dma_start3A_77, %dma_start3A_78] : memref<40960x64xf32, #tpu.memory_space<hbm>> -> memref<40960x64xf32, #tpu.memory_space<hbm>>
        tpu.enqueue_indirect_dma source(%dma_start3A_79 : memref<40960x64xf32, #tpu.memory_space<hbm>>) target(%arg9 : memref<80x64xf32, #tpu.memory_space<vmem>>) offsets(%dma_start3A_76 : memref<80xi32, #tpu.memory_space<vmem>>) semaphore(%arg11 : memref<!tpu.dma_semaphore, #tpu.memory_space<semaphore_mem>>)
      } else {
      }
      %dma_wait3A = arith.constant 0 : i32
      %dma_wait3A_48 = arith.constant 0 : i32
      %dma_wait3A_49 = tpu.memref_slice %arg6[%dma_wait3A, %dma_wait3A_48] : memref<250x80xi32, #tpu.memory_space<vmem>> -> memref<1x80xi32, #tpu.memory_space<vmem>>
      %dma_wait3A_50 = tpu.memref_squeeze %dma_wait3A_49 : memref<1x80xi32, #tpu.memory_space<vmem>> -> memref<80xi32, #tpu.memory_space<vmem>>
      %dma_wait3A_51 = arith.constant 0 : i32
      %dma_wait3A_52 = arith.constant 0 : i32
      %dma_wait3A_53 = tpu.memref_slice %arg2[%dma_wait3A_51, %dma_wait3A_52] : memref<40960x64xf32, #tpu.memory_space<hbm>> -> memref<40960x64xf32, #tpu.memory_space<hbm>>
      tpu.wait_indirect_dma semaphore(%arg10 : memref<!tpu.dma_semaphore, #tpu.memory_space<semaphore_mem>>) src(%dma_wait3A_53 : memref<40960x64xf32, #tpu.memory_space<hbm>>) dst(%arg8 : memref<80x64xf32, #tpu.memory_space<vmem>>)
      "tpu.region"() ({
        %run_scoped3A = tpu.sem_alloc : memref<!tpu.dma_semaphore, #tpu.memory_space<semaphore_mem>>
        %dma_start3A_72 = arith.constant 0 : i32
        %dma_start3A_73 = tpu.memref_slice %arg7[%mul3A_43, %dma_start3A_72] : memref<250x80xi32, #tpu.memory_space<vmem>> -> memref<1x80xi32, #tpu.memory_space<vmem>>
        %dma_start3A_74 = tpu.memref_squeeze %dma_start3A_73 : memref<1x80xi32, #tpu.memory_space<vmem>> -> memref<80xi32, #tpu.memory_space<vmem>>
        %dma_start3A_75 = arith.constant 0 : i32
        %dma_start3A_76 = arith.constant 0 : i32
        %dma_start3A_77 = tpu.memref_slice %arg12[%dma_start3A_75, %dma_start3A_76] : memref<10240x64xf32, #tpu.memory_space<vmem_shared>> -> memref<10240x64xf32, #tpu.memory_space<vmem_shared>>
        tpu.enqueue_indirect_dma source(%arg8 : memref<80x64xf32, #tpu.memory_space<vmem>>) target(%dma_start3A_77 : memref<10240x64xf32, #tpu.memory_space<vmem_shared>>) offsets(%dma_start3A_74 : memref<80xi32, #tpu.memory_space<vmem>>) semaphore(%run_scoped3A : memref<!tpu.dma_semaphore, #tpu.memory_space<semaphore_mem>>) {add = true}
        %dma_wait3A_78 = arith.constant 0 : i32
        %dma_wait3A_79 = tpu.memref_slice %arg7[%mul3A_43, %dma_wait3A_78] : memref<250x80xi32, #tpu.memory_space<vmem>> -> memref<1x80xi32, #tpu.memory_space<vmem>>
        %dma_wait3A_80 = tpu.memref_squeeze %dma_wait3A_79 : memref<1x80xi32, #tpu.memory_space<vmem>> -> memref<80xi32, #tpu.memory_space<vmem>>
        %dma_wait3A_81 = arith.constant 0 : i32
        %dma_wait3A_82 = arith.constant 0 : i32
        %dma_wait3A_83 = tpu.memref_slice %arg12[%dma_wait3A_81, %dma_wait3A_82] : memref<10240x64xf32, #tpu.memory_space<vmem_shared>> -> memref<10240x64xf32, #tpu.memory_space<vmem_shared>>
        tpu.wait_indirect_dma semaphore(%run_scoped3A : memref<!tpu.dma_semaphore, #tpu.memory_space<semaphore_mem>>) src(%arg8 : memref<80x64xf32, #tpu.memory_space<vmem>>) dst(%dma_wait3A_83 : memref<10240x64xf32, #tpu.memory_space<vmem_shared>>)
        tpu.yield
      }) : () -> ()
      %mul3A_54 = arith.constant 2 : i32
      %mul3A_55 = arith.muli %mul3A_54, %scan3A_41 : i32
      %add3A_56 = arith.constant 1 : i32
      %add3A_57 = arith.addi %mul3A_55, %add3A_56 : i32
      %add3A_58 = arith.constant 1 : i32
      %add3A_59 = arith.addi %add3A_57, %add3A_58 : i32
      %lt3A_60 = arith.constant 250 : i32
      %lt3A_61 = arith.cmpi slt, %add3A_59, %lt3A_60 : i32
      %convert_element_type3A_62 = arith.extui %lt3A_61 : i1 to i32
      %cond3A_63 = arith.constant 0 : i32
      %cond3A_64 = arith.cmpi ne, %convert_element_type3A_62, %cond3A_63 : i32
      scf.if %cond3A_64 {
        %add3A_72 = arith.constant 1 : i32
        %add3A_73 = arith.addi %add3A_57, %add3A_72 : i32
        %dma_start3A_74 = arith.constant 0 : i32
        %dma_start3A_75 = tpu.memref_slice %arg6[%add3A_73, %dma_start3A_74] : memref<250x80xi32, #tpu.memory_space<vmem>> -> memref<1x80xi32, #tpu.memory_space<vmem>>
        %dma_start3A_76 = tpu.memref_squeeze %dma_start3A_75 : memref<1x80xi32, #tpu.memory_space<vmem>> -> memref<80xi32, #tpu.memory_space<vmem>>
        %dma_start3A_77 = arith.constant 0 : i32
        %dma_start3A_78 = arith.constant 0 : i32
        %dma_start3A_79 = tpu.memref_slice %arg2[%dma_start3A_77, %dma_start3A_78] : memref<40960x64xf32, #tpu.memory_space<hbm>> -> memref<40960x64xf32, #tpu.memory_space<hbm>>
        tpu.enqueue_indirect_dma source(%dma_start3A_79 : memref<40960x64xf32, #tpu.memory_space<hbm>>) target(%arg8 : memref<80x64xf32, #tpu.memory_space<vmem>>) offsets(%dma_start3A_76 : memref<80xi32, #tpu.memory_space<vmem>>) semaphore(%arg10 : memref<!tpu.dma_semaphore, #tpu.memory_space<semaphore_mem>>)
      } else {
      }
      %dma_wait3A_65 = arith.constant 0 : i32
      %dma_wait3A_66 = arith.constant 0 : i32
      %dma_wait3A_67 = tpu.memref_slice %arg6[%dma_wait3A_65, %dma_wait3A_66] : memref<250x80xi32, #tpu.memory_space<vmem>> -> memref<1x80xi32, #tpu.memory_space<vmem>>
      %dma_wait3A_68 = tpu.memref_squeeze %dma_wait3A_67 : memref<1x80xi32, #tpu.memory_space<vmem>> -> memref<80xi32, #tpu.memory_space<vmem>>
      %dma_wait3A_69 = arith.constant 0 : i32
      %dma_wait3A_70 = arith.constant 0 : i32
      %dma_wait3A_71 = tpu.memref_slice %arg2[%dma_wait3A_69, %dma_wait3A_70] : memref<40960x64xf32, #tpu.memory_space<hbm>> -> memref<40960x64xf32, #tpu.memory_space<hbm>>
      tpu.wait_indirect_dma semaphore(%arg11 : memref<!tpu.dma_semaphore, #tpu.memory_space<semaphore_mem>>) src(%dma_wait3A_71 : memref<40960x64xf32, #tpu.memory_space<hbm>>) dst(%arg9 : memref<80x64xf32, #tpu.memory_space<vmem>>)
      "tpu.region"() ({
        %run_scoped3A = tpu.sem_alloc : memref<!tpu.dma_semaphore, #tpu.memory_space<semaphore_mem>>
        %dma_start3A_72 = arith.constant 0 : i32
        %dma_start3A_73 = tpu.memref_slice %arg7[%add3A_57, %dma_start3A_72] : memref<250x80xi32, #tpu.memory_space<vmem>> -> memref<1x80xi32, #tpu.memory_space<vmem>>
        %dma_start3A_74 = tpu.memref_squeeze %dma_start3A_73 : memref<1x80xi32, #tpu.memory_space<vmem>> -> memref<80xi32, #tpu.memory_space<vmem>>
        %dma_start3A_75 = arith.constant 0 : i32
        %dma_start3A_76 = arith.constant 0 : i32
        %dma_start3A_77 = tpu.memref_slice %arg12[%dma_start3A_75, %dma_start3A_76] : memref<10240x64xf32, #tpu.memory_space<vmem_shared>> -> memref<10240x64xf32, #tpu.memory_space<vmem_shared>>
        tpu.enqueue_indirect_dma source(%arg9 : memref<80x64xf32, #tpu.memory_space<vmem>>) target(%dma_start3A_77 : memref<10240x64xf32, #tpu.memory_space<vmem_shared>>) offsets(%dma_start3A_74 : memref<80xi32, #tpu.memory_space<vmem>>) semaphore(%run_scoped3A : memref<!tpu.dma_semaphore, #tpu.memory_space<semaphore_mem>>) {add = true}
        %dma_wait3A_78 = arith.constant 0 : i32
        %dma_wait3A_79 = tpu.memref_slice %arg7[%add3A_57, %dma_wait3A_78] : memref<250x80xi32, #tpu.memory_space<vmem>> -> memref<1x80xi32, #tpu.memory_space<vmem>>
        %dma_wait3A_80 = tpu.memref_squeeze %dma_wait3A_79 : memref<1x80xi32, #tpu.memory_space<vmem>> -> memref<80xi32, #tpu.memory_space<vmem>>
        %dma_wait3A_81 = arith.constant 0 : i32
        %dma_wait3A_82 = arith.constant 0 : i32
        %dma_wait3A_83 = tpu.memref_slice %arg12[%dma_wait3A_81, %dma_wait3A_82] : memref<10240x64xf32, #tpu.memory_space<vmem_shared>> -> memref<10240x64xf32, #tpu.memory_space<vmem_shared>>
        tpu.wait_indirect_dma semaphore(%run_scoped3A : memref<!tpu.dma_semaphore, #tpu.memory_space<semaphore_mem>>) src(%arg9 : memref<80x64xf32, #tpu.memory_space<vmem>>) dst(%dma_wait3A_83 : memref<10240x64xf32, #tpu.memory_space<vmem_shared>>)
        tpu.yield
      }) : () -> ()
    }
    %scan3A_17 = arith.constant 125 : i32
    %barrier3A_18 = arith.constant 0 : index
    tpu.barrier barrier_id(%barrier3A_18)
    "tpu.region"() ({
      %run_scoped3A = tpu.sem_alloc : memref<!tpu.dma_semaphore, #tpu.memory_space<semaphore_mem>>
      %dma_start3A_41 = arith.constant 0 : i32
      %dma_start3A_42 = tpu.memref_slice %arg5[%add3A_3, %mul3A_0, %dma_start3A_41] : memref<4x10240x64xf32, #tpu.memory_space<hbm>> -> memref<1x640x64xf32, #tpu.memory_space<hbm>>
      %dma_start3A_43 = tpu.memref_squeeze %dma_start3A_42 : memref<1x640x64xf32, #tpu.memory_space<hbm>> -> memref<640x64xf32, #tpu.memory_space<hbm>>
      %dma_start3A_44 = arith.constant 0 : i32
      %dma_start3A_45 = tpu.memref_slice %arg12[%mul3A_0, %dma_start3A_44] : memref<10240x64xf32, #tpu.memory_space<vmem_shared>> -> memref<640x64xf32, #tpu.memory_space<vmem_shared>>
      tpu.enqueue_dma source(%dma_start3A_45 : memref<640x64xf32, #tpu.memory_space<vmem_shared>>) target(%dma_start3A_43 : memref<640x64xf32, #tpu.memory_space<hbm>>) target_semaphore(%run_scoped3A : memref<!tpu.dma_semaphore, #tpu.memory_space<semaphore_mem>>)
      %dma_wait3A = arith.constant 0 : i32
      %dma_wait3A_46 = tpu.memref_slice %arg5[%add3A_3, %mul3A_0, %dma_wait3A] : memref<4x10240x64xf32, #tpu.memory_space<hbm>> -> memref<1x640x64xf32, #tpu.memory_space<hbm>>
      %dma_wait3A_47 = tpu.memref_squeeze %dma_wait3A_46 : memref<1x640x64xf32, #tpu.memory_space<hbm>> -> memref<640x64xf32, #tpu.memory_space<hbm>>
      %dma_wait3A_48 = arith.constant 0 : i32
      %dma_wait3A_49 = tpu.memref_slice %arg12[%mul3A_0, %dma_wait3A_48] : memref<10240x64xf32, #tpu.memory_space<vmem_shared>> -> memref<640x64xf32, #tpu.memory_space<vmem_shared>>
      tpu.wait_dma2 semaphore(%run_scoped3A : memref<!tpu.dma_semaphore, #tpu.memory_space<semaphore_mem>>) src(%dma_wait3A_49 : memref<640x64xf32, #tpu.memory_space<vmem_shared>>) dst(%dma_wait3A_47 : memref<640x64xf32, #tpu.memory_space<hbm>>)
      tpu.yield
    }) : () -> ()
    %mul3A_19 = arith.constant 2 : i32
    %mul3A_20 = arith.muli %mul3A_19, %arg0 : i32
    %add3A_21 = arith.constant 1 : i32
    %add3A_22 = arith.addi %mul3A_20, %add3A_21 : i32
    %mul3A_23 = arith.constant 10240 : i32
    %mul3A_24 = arith.muli %add3A_22, %mul3A_23 : i32
    %add3A_25 = arith.addi %mul3A_24, %mul3A_0 : i32
    "tpu.region"() ({
      %run_scoped3A = tpu.sem_alloc : memref<!tpu.dma_semaphore, #tpu.memory_space<semaphore_mem>>
      %dma_start3A_41 = arith.constant 0 : i32
      %dma_start3A_42 = tpu.memref_slice %arg12[%mul3A_0, %dma_start3A_41] : memref<10240x64xf32, #tpu.memory_space<vmem_shared>> -> memref<640x64xf32, #tpu.memory_space<vmem_shared>>
      %dma_start3A_43 = arith.constant 0 : i32
      %dma_start3A_44 = tpu.memref_slice %arg2[%add3A_25, %dma_start3A_43] : memref<40960x64xf32, #tpu.memory_space<hbm>> -> memref<640x64xf32, #tpu.memory_space<hbm>>
      tpu.enqueue_dma source(%dma_start3A_44 : memref<640x64xf32, #tpu.memory_space<hbm>>) target(%dma_start3A_42 : memref<640x64xf32, #tpu.memory_space<vmem_shared>>) target_semaphore(%run_scoped3A : memref<!tpu.dma_semaphore, #tpu.memory_space<semaphore_mem>>)
      %dma_wait3A = arith.constant 0 : i32
      %dma_wait3A_45 = tpu.memref_slice %arg12[%mul3A_0, %dma_wait3A] : memref<10240x64xf32, #tpu.memory_space<vmem_shared>> -> memref<640x64xf32, #tpu.memory_space<vmem_shared>>
      %dma_wait3A_46 = arith.constant 0 : i32
      %dma_wait3A_47 = tpu.memref_slice %arg2[%add3A_25, %dma_wait3A_46] : memref<40960x64xf32, #tpu.memory_space<hbm>> -> memref<640x64xf32, #tpu.memory_space<hbm>>
      tpu.wait_dma2 semaphore(%run_scoped3A : memref<!tpu.dma_semaphore, #tpu.memory_space<semaphore_mem>>) src(%dma_wait3A_47 : memref<640x64xf32, #tpu.memory_space<hbm>>) dst(%dma_wait3A_45 : memref<640x64xf32, #tpu.memory_space<vmem_shared>>)
      tpu.yield
    }) : () -> ()
    "tpu.region"() ({
      %run_scoped3A = tpu.sem_alloc : memref<!tpu.dma_semaphore, #tpu.memory_space<semaphore_mem>>
      %dma_start3A_41 = arith.constant 0 : i32
      %dma_start3A_42 = arith.constant 0 : i32
      %dma_start3A_43 = tpu.memref_slice %arg3[%add3A_22, %arg1, %dma_start3A_41, %dma_start3A_42] : memref<4x16x250x80xi32, #tpu.memory_space<hbm>> -> memref<1x1x250x80xi32, #tpu.memory_space<hbm>>
      %dma_start3A_44 = tpu.memref_squeeze %dma_start3A_43 : memref<1x1x250x80xi32, #tpu.memory_space<hbm>> -> memref<250x80xi32, #tpu.memory_space<hbm>>
      %dma_start3A_45 = arith.constant 0 : i32
      %dma_start3A_46 = arith.constant 0 : i32
      %dma_start3A_47 = tpu.memref_slice %arg3[%add3A_22, %arg1, %dma_start3A_45, %dma_start3A_46] : memref<4x16x250x80xi32, #tpu.memory_space<hbm>> -> memref<1x1x250x80xi32, #tpu.memory_space<hbm>>
      %dma_start3A_48 = tpu.memref_squeeze %dma_start3A_47 : memref<1x1x250x80xi32, #tpu.memory_space<hbm>> -> memref<250x80xi32, #tpu.memory_space<hbm>>
      tpu.enqueue_dma source(%dma_start3A_48 : memref<250x80xi32, #tpu.memory_space<hbm>>) target(%arg6 : memref<250x80xi32, #tpu.memory_space<vmem>>) target_semaphore(%run_scoped3A : memref<!tpu.dma_semaphore, #tpu.memory_space<semaphore_mem>>)
      %dma_wait3A = arith.constant 0 : i32
      %dma_wait3A_49 = arith.constant 0 : i32
      %dma_wait3A_50 = tpu.memref_slice %arg3[%add3A_22, %arg1, %dma_wait3A, %dma_wait3A_49] : memref<4x16x250x80xi32, #tpu.memory_space<hbm>> -> memref<1x1x250x80xi32, #tpu.memory_space<hbm>>
      %dma_wait3A_51 = tpu.memref_squeeze %dma_wait3A_50 : memref<1x1x250x80xi32, #tpu.memory_space<hbm>> -> memref<250x80xi32, #tpu.memory_space<hbm>>
      %dma_wait3A_52 = arith.constant 0 : i32
      %dma_wait3A_53 = arith.constant 0 : i32
      %dma_wait3A_54 = tpu.memref_slice %arg3[%add3A_22, %arg1, %dma_wait3A_52, %dma_wait3A_53] : memref<4x16x250x80xi32, #tpu.memory_space<hbm>> -> memref<1x1x250x80xi32, #tpu.memory_space<hbm>>
      %dma_wait3A_55 = tpu.memref_squeeze %dma_wait3A_54 : memref<1x1x250x80xi32, #tpu.memory_space<hbm>> -> memref<250x80xi32, #tpu.memory_space<hbm>>
      tpu.wait_dma2 semaphore(%run_scoped3A : memref<!tpu.dma_semaphore, #tpu.memory_space<semaphore_mem>>) src(%dma_wait3A_55 : memref<250x80xi32, #tpu.memory_space<hbm>>) dst(%arg6 : memref<250x80xi32, #tpu.memory_space<vmem>>)
      tpu.yield
    }) : () -> ()
    %barrier3A_26 = arith.constant 0 : index
    tpu.barrier barrier_id(%barrier3A_26)
    %dma_start3A_27 = arith.constant 0 : i32
    %dma_start3A_28 = arith.constant 0 : i32
    %dma_start3A_29 = tpu.memref_slice %arg6[%dma_start3A_27, %dma_start3A_28] : memref<250x80xi32, #tpu.memory_space<vmem>> -> memref<1x80xi32, #tpu.memory_space<vmem>>
    %dma_start3A_30 = tpu.memref_squeeze %dma_start3A_29 : memref<1x80xi32, #tpu.memory_space<vmem>> -> memref<80xi32, #tpu.memory_space<vmem>>
    %dma_start3A_31 = arith.constant 0 : i32
    %dma_start3A_32 = arith.constant 0 : i32
    %dma_start3A_33 = tpu.memref_slice %arg2[%dma_start3A_31, %dma_start3A_32] : memref<40960x64xf32, #tpu.memory_space<hbm>> -> memref<40960x64xf32, #tpu.memory_space<hbm>>
    tpu.enqueue_indirect_dma source(%dma_start3A_33 : memref<40960x64xf32, #tpu.memory_space<hbm>>) target(%arg8 : memref<80x64xf32, #tpu.memory_space<vmem>>) offsets(%dma_start3A_30 : memref<80xi32, #tpu.memory_space<vmem>>) semaphore(%arg10 : memref<!tpu.dma_semaphore, #tpu.memory_space<semaphore_mem>>)
    %scan3A_34 = arith.constant 0 : i32
    %scan3A_35 = arith.constant 0 : i32
    %scan3A_36 = arith.constant 125 : i32
    %scan3A_37 = arith.addi %scan3A_35, %scan3A_36 : i32
    %scan3A_38 = arith.constant 1 : i32
    scf.for %scan3A_41 = %scan3A_35 to %scan3A_37 step %scan3A_38  : i32 {
      %mul3A_42 = arith.constant 2 : i32
      %mul3A_43 = arith.muli %mul3A_42, %scan3A_41 : i32
      %add3A_44 = arith.constant 1 : i32
      %add3A_45 = arith.addi %mul3A_43, %add3A_44 : i32
      %lt3A = arith.constant 250 : i32
      %lt3A_46 = arith.cmpi slt, %add3A_45, %lt3A : i32
      %convert_element_type3A = arith.extui %lt3A_46 : i1 to i32
      %cond3A = arith.constant 0 : i32
      %cond3A_47 = arith.cmpi ne, %convert_element_type3A, %cond3A : i32
      scf.if %cond3A_47 {
        %add3A_72 = arith.constant 1 : i32
        %add3A_73 = arith.addi %mul3A_43, %add3A_72 : i32
        %dma_start3A_74 = arith.constant 0 : i32
        %dma_start3A_75 = tpu.memref_slice %arg6[%add3A_73, %dma_start3A_74] : memref<250x80xi32, #tpu.memory_space<vmem>> -> memref<1x80xi32, #tpu.memory_space<vmem>>
        %dma_start3A_76 = tpu.memref_squeeze %dma_start3A_75 : memref<1x80xi32, #tpu.memory_space<vmem>> -> memref<80xi32, #tpu.memory_space<vmem>>
        %dma_start3A_77 = arith.constant 0 : i32
        %dma_start3A_78 = arith.constant 0 : i32
        %dma_start3A_79 = tpu.memref_slice %arg2[%dma_start3A_77, %dma_start3A_78] : memref<40960x64xf32, #tpu.memory_space<hbm>> -> memref<40960x64xf32, #tpu.memory_space<hbm>>
        tpu.enqueue_indirect_dma source(%dma_start3A_79 : memref<40960x64xf32, #tpu.memory_space<hbm>>) target(%arg9 : memref<80x64xf32, #tpu.memory_space<vmem>>) offsets(%dma_start3A_76 : memref<80xi32, #tpu.memory_space<vmem>>) semaphore(%arg11 : memref<!tpu.dma_semaphore, #tpu.memory_space<semaphore_mem>>)
      } else {
      }
      %dma_wait3A = arith.constant 0 : i32
      %dma_wait3A_48 = arith.constant 0 : i32
      %dma_wait3A_49 = tpu.memref_slice %arg6[%dma_wait3A, %dma_wait3A_48] : memref<250x80xi32, #tpu.memory_space<vmem>> -> memref<1x80xi32, #tpu.memory_space<vmem>>
      %dma_wait3A_50 = tpu.memref_squeeze %dma_wait3A_49 : memref<1x80xi32, #tpu.memory_space<vmem>> -> memref<80xi32, #tpu.memory_space<vmem>>
      %dma_wait3A_51 = arith.constant 0 : i32
      %dma_wait3A_52 = arith.constant 0 : i32
      %dma_wait3A_53 = tpu.memref_slice %arg2[%dma_wait3A_51, %dma_wait3A_52] : memref<40960x64xf32, #tpu.memory_space<hbm>> -> memref<40960x64xf32, #tpu.memory_space<hbm>>
      tpu.wait_indirect_dma semaphore(%arg10 : memref<!tpu.dma_semaphore, #tpu.memory_space<semaphore_mem>>) src(%dma_wait3A_53 : memref<40960x64xf32, #tpu.memory_space<hbm>>) dst(%arg8 : memref<80x64xf32, #tpu.memory_space<vmem>>)
      "tpu.region"() ({
        %run_scoped3A = tpu.sem_alloc : memref<!tpu.dma_semaphore, #tpu.memory_space<semaphore_mem>>
        %dma_start3A_72 = arith.constant 0 : i32
        %dma_start3A_73 = tpu.memref_slice %arg7[%mul3A_43, %dma_start3A_72] : memref<250x80xi32, #tpu.memory_space<vmem>> -> memref<1x80xi32, #tpu.memory_space<vmem>>
        %dma_start3A_74 = tpu.memref_squeeze %dma_start3A_73 : memref<1x80xi32, #tpu.memory_space<vmem>> -> memref<80xi32, #tpu.memory_space<vmem>>
        %dma_start3A_75 = arith.constant 0 : i32
        %dma_start3A_76 = arith.constant 0 : i32
        %dma_start3A_77 = tpu.memref_slice %arg12[%dma_start3A_75, %dma_start3A_76] : memref<10240x64xf32, #tpu.memory_space<vmem_shared>> -> memref<10240x64xf32, #tpu.memory_space<vmem_shared>>
        tpu.enqueue_indirect_dma source(%arg8 : memref<80x64xf32, #tpu.memory_space<vmem>>) target(%dma_start3A_77 : memref<10240x64xf32, #tpu.memory_space<vmem_shared>>) offsets(%dma_start3A_74 : memref<80xi32, #tpu.memory_space<vmem>>) semaphore(%run_scoped3A : memref<!tpu.dma_semaphore, #tpu.memory_space<semaphore_mem>>) {add = true}
        %dma_wait3A_78 = arith.constant 0 : i32
        %dma_wait3A_79 = tpu.memref_slice %arg7[%mul3A_43, %dma_wait3A_78] : memref<250x80xi32, #tpu.memory_space<vmem>> -> memref<1x80xi32, #tpu.memory_space<vmem>>
        %dma_wait3A_80 = tpu.memref_squeeze %dma_wait3A_79 : memref<1x80xi32, #tpu.memory_space<vmem>> -> memref<80xi32, #tpu.memory_space<vmem>>
        %dma_wait3A_81 = arith.constant 0 : i32
        %dma_wait3A_82 = arith.constant 0 : i32
        %dma_wait3A_83 = tpu.memref_slice %arg12[%dma_wait3A_81, %dma_wait3A_82] : memref<10240x64xf32, #tpu.memory_space<vmem_shared>> -> memref<10240x64xf32, #tpu.memory_space<vmem_shared>>
        tpu.wait_indirect_dma semaphore(%run_scoped3A : memref<!tpu.dma_semaphore, #tpu.memory_space<semaphore_mem>>) src(%arg8 : memref<80x64xf32, #tpu.memory_space<vmem>>) dst(%dma_wait3A_83 : memref<10240x64xf32, #tpu.memory_space<vmem_shared>>)
        tpu.yield
      }) : () -> ()
      %mul3A_54 = arith.constant 2 : i32
      %mul3A_55 = arith.muli %mul3A_54, %scan3A_41 : i32
      %add3A_56 = arith.constant 1 : i32
      %add3A_57 = arith.addi %mul3A_55, %add3A_56 : i32
      %add3A_58 = arith.constant 1 : i32
      %add3A_59 = arith.addi %add3A_57, %add3A_58 : i32
      %lt3A_60 = arith.constant 250 : i32
      %lt3A_61 = arith.cmpi slt, %add3A_59, %lt3A_60 : i32
      %convert_element_type3A_62 = arith.extui %lt3A_61 : i1 to i32
      %cond3A_63 = arith.constant 0 : i32
      %cond3A_64 = arith.cmpi ne, %convert_element_type3A_62, %cond3A_63 : i32
      scf.if %cond3A_64 {
        %add3A_72 = arith.constant 1 : i32
        %add3A_73 = arith.addi %add3A_57, %add3A_72 : i32
        %dma_start3A_74 = arith.constant 0 : i32
        %dma_start3A_75 = tpu.memref_slice %arg6[%add3A_73, %dma_start3A_74] : memref<250x80xi32, #tpu.memory_space<vmem>> -> memref<1x80xi32, #tpu.memory_space<vmem>>
        %dma_start3A_76 = tpu.memref_squeeze %dma_start3A_75 : memref<1x80xi32, #tpu.memory_space<vmem>> -> memref<80xi32, #tpu.memory_space<vmem>>
        %dma_start3A_77 = arith.constant 0 : i32
        %dma_start3A_78 = arith.constant 0 : i32
        %dma_start3A_79 = tpu.memref_slice %arg2[%dma_start3A_77, %dma_start3A_78] : memref<40960x64xf32, #tpu.memory_space<hbm>> -> memref<40960x64xf32, #tpu.memory_space<hbm>>
        tpu.enqueue_indirect_dma source(%dma_start3A_79 : memref<40960x64xf32, #tpu.memory_space<hbm>>) target(%arg8 : memref<80x64xf32, #tpu.memory_space<vmem>>) offsets(%dma_start3A_76 : memref<80xi32, #tpu.memory_space<vmem>>) semaphore(%arg10 : memref<!tpu.dma_semaphore, #tpu.memory_space<semaphore_mem>>)
      } else {
      }
      %dma_wait3A_65 = arith.constant 0 : i32
      %dma_wait3A_66 = arith.constant 0 : i32
      %dma_wait3A_67 = tpu.memref_slice %arg6[%dma_wait3A_65, %dma_wait3A_66] : memref<250x80xi32, #tpu.memory_space<vmem>> -> memref<1x80xi32, #tpu.memory_space<vmem>>
      %dma_wait3A_68 = tpu.memref_squeeze %dma_wait3A_67 : memref<1x80xi32, #tpu.memory_space<vmem>> -> memref<80xi32, #tpu.memory_space<vmem>>
      %dma_wait3A_69 = arith.constant 0 : i32
      %dma_wait3A_70 = arith.constant 0 : i32
      %dma_wait3A_71 = tpu.memref_slice %arg2[%dma_wait3A_69, %dma_wait3A_70] : memref<40960x64xf32, #tpu.memory_space<hbm>> -> memref<40960x64xf32, #tpu.memory_space<hbm>>
      tpu.wait_indirect_dma semaphore(%arg11 : memref<!tpu.dma_semaphore, #tpu.memory_space<semaphore_mem>>) src(%dma_wait3A_71 : memref<40960x64xf32, #tpu.memory_space<hbm>>) dst(%arg9 : memref<80x64xf32, #tpu.memory_space<vmem>>)
      "tpu.region"() ({
        %run_scoped3A = tpu.sem_alloc : memref<!tpu.dma_semaphore, #tpu.memory_space<semaphore_mem>>
        %dma_start3A_72 = arith.constant 0 : i32
        %dma_start3A_73 = tpu.memref_slice %arg7[%add3A_57, %dma_start3A_72] : memref<250x80xi32, #tpu.memory_space<vmem>> -> memref<1x80xi32, #tpu.memory_space<vmem>>
        %dma_start3A_74 = tpu.memref_squeeze %dma_start3A_73 : memref<1x80xi32, #tpu.memory_space<vmem>> -> memref<80xi32, #tpu.memory_space<vmem>>
        %dma_start3A_75 = arith.constant 0 : i32
        %dma_start3A_76 = arith.constant 0 : i32
        %dma_start3A_77 = tpu.memref_slice %arg12[%dma_start3A_75, %dma_start3A_76] : memref<10240x64xf32, #tpu.memory_space<vmem_shared>> -> memref<10240x64xf32, #tpu.memory_space<vmem_shared>>
        tpu.enqueue_indirect_dma source(%arg9 : memref<80x64xf32, #tpu.memory_space<vmem>>) target(%dma_start3A_77 : memref<10240x64xf32, #tpu.memory_space<vmem_shared>>) offsets(%dma_start3A_74 : memref<80xi32, #tpu.memory_space<vmem>>) semaphore(%run_scoped3A : memref<!tpu.dma_semaphore, #tpu.memory_space<semaphore_mem>>) {add = true}
        %dma_wait3A_78 = arith.constant 0 : i32
        %dma_wait3A_79 = tpu.memref_slice %arg7[%add3A_57, %dma_wait3A_78] : memref<250x80xi32, #tpu.memory_space<vmem>> -> memref<1x80xi32, #tpu.memory_space<vmem>>
        %dma_wait3A_80 = tpu.memref_squeeze %dma_wait3A_79 : memref<1x80xi32, #tpu.memory_space<vmem>> -> memref<80xi32, #tpu.memory_space<vmem>>
        %dma_wait3A_81 = arith.constant 0 : i32
        %dma_wait3A_82 = arith.constant 0 : i32
        %dma_wait3A_83 = tpu.memref_slice %arg12[%dma_wait3A_81, %dma_wait3A_82] : memref<10240x64xf32, #tpu.memory_space<vmem_shared>> -> memref<10240x64xf32, #tpu.memory_space<vmem_shared>>
        tpu.wait_indirect_dma semaphore(%run_scoped3A : memref<!tpu.dma_semaphore, #tpu.memory_space<semaphore_mem>>) src(%arg9 : memref<80x64xf32, #tpu.memory_space<vmem>>) dst(%dma_wait3A_83 : memref<10240x64xf32, #tpu.memory_space<vmem_shared>>)
        tpu.yield
      }) : () -> ()
    }
    %scan3A_39 = arith.constant 125 : i32
    %barrier3A_40 = arith.constant 0 : index
    tpu.barrier barrier_id(%barrier3A_40)
    "tpu.region"() ({
      %run_scoped3A = tpu.sem_alloc : memref<!tpu.dma_semaphore, #tpu.memory_space<semaphore_mem>>
      %dma_start3A_41 = arith.constant 0 : i32
      %dma_start3A_42 = tpu.memref_slice %arg5[%add3A_22, %mul3A_0, %dma_start3A_41] : memref<4x10240x64xf32, #tpu.memory_space<hbm>> -> memref<1x640x64xf32, #tpu.memory_space<hbm>>
      %dma_start3A_43 = tpu.memref_squeeze %dma_start3A_42 : memref<1x640x64xf32, #tpu.memory_space<hbm>> -> memref<640x64xf32, #tpu.memory_space<hbm>>
      %dma_start3A_44 = arith.constant 0 : i32
      %dma_start3A_45 = tpu.memref_slice %arg12[%mul3A_0, %dma_start3A_44] : memref<10240x64xf32, #tpu.memory_space<vmem_shared>> -> memref<640x64xf32, #tpu.memory_space<vmem_shared>>
      tpu.enqueue_dma source(%dma_start3A_45 : memref<640x64xf32, #tpu.memory_space<vmem_shared>>) target(%dma_start3A_43 : memref<640x64xf32, #tpu.memory_space<hbm>>) target_semaphore(%run_scoped3A : memref<!tpu.dma_semaphore, #tpu.memory_space<semaphore_mem>>)
      %dma_wait3A = arith.constant 0 : i32
      %dma_wait3A_46 = tpu.memref_slice %arg5[%add3A_22, %mul3A_0, %dma_wait3A] : memref<4x10240x64xf32, #tpu.memory_space<hbm>> -> memref<1x640x64xf32, #tpu.memory_space<hbm>>
      %dma_wait3A_47 = tpu.memref_squeeze %dma_wait3A_46 : memref<1x640x64xf32, #tpu.memory_space<hbm>> -> memref<640x64xf32, #tpu.memory_space<hbm>>
      %dma_wait3A_48 = arith.constant 0 : i32
      %dma_wait3A_49 = tpu.memref_slice %arg12[%mul3A_0, %dma_wait3A_48] : memref<10240x64xf32, #tpu.memory_space<vmem_shared>> -> memref<640x64xf32, #tpu.memory_space<vmem_shared>>
      tpu.wait_dma2 semaphore(%run_scoped3A : memref<!tpu.dma_semaphore, #tpu.memory_space<semaphore_mem>>) src(%dma_wait3A_49 : memref<640x64xf32, #tpu.memory_space<vmem_shared>>) dst(%dma_wait3A_47 : memref<640x64xf32, #tpu.memory_space<hbm>>)
      tpu.yield
    }) : () -> ()
    return
  }
}

module attributes {stable_mosaic.version = 14 : i64} {
  func.func @_dense1_body(%arg0: i32, %arg1: memref<1024x128xf32, #tpu.memory_space<vmem>>, %arg2: memref<1024x16xf32, #tpu.memory_space<vmem>>, %arg3: memref<2x1024x16xf32, #tpu.memory_space<vmem>>, %arg4: memref<16x128xf32, #tpu.memory_space<vmem>>, %arg5: memref<1x128xf32, #tpu.memory_space<vmem>>, %arg6: memref<128x128xf32, #tpu.memory_space<vmem>>, %arg7: memref<128x128xf32, #tpu.memory_space<vmem>>, %arg8: memref<128x128xf32, #tpu.memory_space<vmem>>, %arg9: memref<4x1024x64xf32, #tpu.memory_space<vmem>>) attributes {dimension_semantics = [#tpu.dimension_semantics<arbitrary>], iteration_bounds = array<i64: 10>, scalar_prefetch = 0 : i64, scratch_operands = 0 : i64, tpu.core_type = #tpu.core_type<tc>, window_params = [{transform_indices = @transform_0, window_bounds = array<i64: 1024, 128>}, {transform_indices = @transform_1, window_bounds = array<i64: 1024, 16>}, {transform_indices = @transform_2, window_bounds = array<i64: 2, 1024, 16>}, {pipeline_mode = #tpu.pipeline_mode<synchronous>, transform_indices = @transform_3, window_bounds = array<i64: 16, 128>}, {pipeline_mode = #tpu.pipeline_mode<synchronous>, transform_indices = @transform_4, window_bounds = array<i64: 1, 128>}, {pipeline_mode = #tpu.pipeline_mode<synchronous>, transform_indices = @transform_5, window_bounds = array<i64: 128, 128>}, {pipeline_mode = #tpu.pipeline_mode<synchronous>, transform_indices = @transform_6, window_bounds = array<i64: 128, 128>}, {pipeline_mode = #tpu.pipeline_mode<synchronous>, transform_indices = @transform_7, window_bounds = array<i64: 128, 128>}, {transform_indices = @transform_8, window_bounds = array<i64: 4, 1024, 64>}]} {
    %get3A = arith.constant 0 : index
    %get3A_0 = arith.constant 0 : index
    %get3A_1 = arith.constant 0 : index
    %get3A_2 = vector.load %arg3[%get3A, %get3A_0, %get3A_1] : memref<2x1024x16xf32, #tpu.memory_space<vmem>>, vector<1x1024x16xf32>
    %get3A_3 = vector.shape_cast %get3A_2 : vector<1x1024x16xf32> to vector<1024x16xf32>
    %get3A_4 = arith.constant 1 : index
    %get3A_5 = arith.constant 0 : index
    %get3A_6 = arith.constant 0 : index
    %get3A_7 = vector.load %arg3[%get3A_4, %get3A_5, %get3A_6] : memref<2x1024x16xf32, #tpu.memory_space<vmem>>, vector<1x1024x16xf32>
    %get3A_8 = vector.shape_cast %get3A_7 : vector<1x1024x16xf32> to vector<1024x16xf32>
    %add3A = arith.addf %get3A_3, %get3A_8 : vector<1024x16xf32>
    %slice3A = vector.extract_strided_slice %add3A {offsets = [0, 0], sizes = [1024, 1], strides = [1, 1]} : vector<1024x16xf32> to vector<1024x1xf32>
    %rsqrt3A = math.rsqrt %slice3A : vector<1024x1xf32>
    %get3A_9 = arith.constant 0 : index
    %get3A_10 = arith.constant 0 : index
    %get3A_11 = vector.load %arg2[%get3A_9, %get3A_10] : memref<1024x16xf32, #tpu.memory_space<vmem>>, vector<1024x16xf32>
    %get3A_12 = arith.constant 0 : index
    %get3A_13 = arith.constant 0 : index
    %get3A_14 = vector.load %arg4[%get3A_12, %get3A_13] : memref<16x128xf32, #tpu.memory_space<vmem>>, vector<16x128xf32>
    %dot_general3A = arith.constant dense<0.000000e+00> : vector<1024x128xf32>
    %dot_general3A_15 = tpu.matmul %get3A_11, %get3A_14, %dot_general3A {dimension_numbers = #tpu.dot_dimension_numbers<[1], [0], [0], [1], [0, 0, 1, 1], [], []>, transpose_lhs_hint = false} : vector<1024x16xf32>, vector<16x128xf32>, vector<1024x128xf32> -> vector<1024x128xf32>
    %get3A_16 = arith.constant 0 : index
    %get3A_17 = arith.constant 0 : index
    %get3A_18 = vector.load %arg5[%get3A_16, %get3A_17] : memref<1x128xf32, #tpu.memory_space<vmem>>, vector<1x128xf32>
    %add3A_19 = vector.broadcast %get3A_18 : vector<1x128xf32> to vector<1024x128xf32>
    %add3A_20 = arith.addf %dot_general3A_15, %add3A_19 : vector<1024x128xf32>
    %get3A_21 = arith.constant 0 : index
    %get3A_22 = arith.constant 0 : index
    %get3A_23 = vector.load %arg1[%get3A_21, %get3A_22] : memref<1024x128xf32, #tpu.memory_space<vmem>>, vector<1024x128xf32>
    %get3A_24 = arith.constant 0 : index
    %get3A_25 = arith.constant 0 : index
    %get3A_26 = vector.load %arg6[%get3A_24, %get3A_25] : memref<128x128xf32, #tpu.memory_space<vmem>>, vector<128x128xf32>
    %dot_general3A_27 = arith.constant dense<0.000000e+00> : vector<1024x128xf32>
    %dot_general3A_28 = tpu.matmul %get3A_23, %get3A_26, %dot_general3A_27 {dimension_numbers = #tpu.dot_dimension_numbers<[1], [0], [0], [1], [0, 0, 1, 1], [], []>, transpose_lhs_hint = false} : vector<1024x128xf32>, vector<128x128xf32>, vector<1024x128xf32> -> vector<1024x128xf32>
    %get3A_29 = arith.constant 0 : index
    %get3A_30 = arith.constant 0 : index
    %get3A_31 = vector.load %arg7[%get3A_29, %get3A_30] : memref<128x128xf32, #tpu.memory_space<vmem>>, vector<128x128xf32>
    %dot_general3A_32 = arith.constant dense<0.000000e+00> : vector<1024x128xf32>
    %dot_general3A_33 = tpu.matmul %add3A_20, %get3A_31, %dot_general3A_32 {dimension_numbers = #tpu.dot_dimension_numbers<[1], [0], [0], [1], [0, 0, 1, 1], [], []>, transpose_lhs_hint = false} : vector<1024x128xf32>, vector<128x128xf32>, vector<1024x128xf32> -> vector<1024x128xf32>
    %add3A_34 = arith.addf %dot_general3A_28, %dot_general3A_33 : vector<1024x128xf32>
    %mul3A = vector.broadcast %rsqrt3A : vector<1024x1xf32> to vector<1024x128xf32>
    %mul3A_35 = arith.mulf %add3A_34, %mul3A : vector<1024x128xf32>
    %get3A_36 = arith.constant 0 : index
    %get3A_37 = arith.constant 0 : index
    %get3A_38 = vector.load %arg8[%get3A_36, %get3A_37] : memref<128x128xf32, #tpu.memory_space<vmem>>, vector<128x128xf32>
    %dot_general3A_39 = arith.constant dense<0.000000e+00> : vector<1024x128xf32>
    %dot_general3A_40 = tpu.matmul %add3A_20, %get3A_38, %dot_general3A_39 {dimension_numbers = #tpu.dot_dimension_numbers<[1], [0], [0], [1], [0, 0, 1, 1], [], []>, transpose_lhs_hint = false} : vector<1024x128xf32>, vector<128x128xf32>, vector<1024x128xf32> -> vector<1024x128xf32>
    %mul3A_41 = vector.broadcast %rsqrt3A : vector<1024x1xf32> to vector<1024x128xf32>
    %mul3A_42 = arith.mulf %dot_general3A_40, %mul3A_41 : vector<1024x128xf32>
    %slice3A_43 = vector.extract_strided_slice %mul3A_35 {offsets = [0, 0], sizes = [1024, 64], strides = [1, 1]} : vector<1024x128xf32> to vector<1024x64xf32>
    %swap3A = arith.constant 0 : index
    %swap3A_44 = arith.constant 0 : index
    %swap3A_45 = arith.constant 0 : index
    %swap3A_46 = vector.load %arg9[%swap3A, %swap3A_44, %swap3A_45] : memref<4x1024x64xf32, #tpu.memory_space<vmem>>, vector<1x1024x64xf32>
    %swap3A_47 = vector.shape_cast %swap3A_46 : vector<1x1024x64xf32> to vector<1024x64xf32>
    %swap3A_48 = vector.shape_cast %slice3A_43 : vector<1024x64xf32> to vector<1x1024x64xf32>
    tpu.vector_store %arg9[%swap3A, %swap3A_44, %swap3A_45], %swap3A_48 {strides = array<i32>} : memref<4x1024x64xf32, #tpu.memory_space<vmem>>, vector<1x1024x64xf32>,
    %slice3A_49 = vector.extract_strided_slice %mul3A_35 {offsets = [0, 64], sizes = [1024, 64], strides = [1, 1]} : vector<1024x128xf32> to vector<1024x64xf32>
    %swap3A_50 = arith.constant 1 : index
    %swap3A_51 = arith.constant 0 : index
    %swap3A_52 = arith.constant 0 : index
    %swap3A_53 = vector.load %arg9[%swap3A_50, %swap3A_51, %swap3A_52] : memref<4x1024x64xf32, #tpu.memory_space<vmem>>, vector<1x1024x64xf32>
    %swap3A_54 = vector.shape_cast %swap3A_53 : vector<1x1024x64xf32> to vector<1024x64xf32>
    %swap3A_55 = vector.shape_cast %slice3A_49 : vector<1024x64xf32> to vector<1x1024x64xf32>
    tpu.vector_store %arg9[%swap3A_50, %swap3A_51, %swap3A_52], %swap3A_55 {strides = array<i32>} : memref<4x1024x64xf32, #tpu.memory_space<vmem>>, vector<1x1024x64xf32>,
    %slice3A_56 = vector.extract_strided_slice %mul3A_42 {offsets = [0, 0], sizes = [1024, 64], strides = [1, 1]} : vector<1024x128xf32> to vector<1024x64xf32>
    %swap3A_57 = arith.constant 2 : index
    %swap3A_58 = arith.constant 0 : index
    %swap3A_59 = arith.constant 0 : index
    %swap3A_60 = vector.load %arg9[%swap3A_57, %swap3A_58, %swap3A_59] : memref<4x1024x64xf32, #tpu.memory_space<vmem>>, vector<1x1024x64xf32>
    %swap3A_61 = vector.shape_cast %swap3A_60 : vector<1x1024x64xf32> to vector<1024x64xf32>
    %swap3A_62 = vector.shape_cast %slice3A_56 : vector<1024x64xf32> to vector<1x1024x64xf32>
    tpu.vector_store %arg9[%swap3A_57, %swap3A_58, %swap3A_59], %swap3A_62 {strides = array<i32>} : memref<4x1024x64xf32, #tpu.memory_space<vmem>>, vector<1x1024x64xf32>,
    %slice3A_63 = vector.extract_strided_slice %mul3A_42 {offsets = [0, 64], sizes = [1024, 64], strides = [1, 1]} : vector<1024x128xf32> to vector<1024x64xf32>
    %swap3A_64 = arith.constant 3 : index
    %swap3A_65 = arith.constant 0 : index
    %swap3A_66 = arith.constant 0 : index
    %swap3A_67 = vector.load %arg9[%swap3A_64, %swap3A_65, %swap3A_66] : memref<4x1024x64xf32, #tpu.memory_space<vmem>>, vector<1x1024x64xf32>
    %swap3A_68 = vector.shape_cast %swap3A_67 : vector<1x1024x64xf32> to vector<1024x64xf32>
    %swap3A_69 = vector.shape_cast %slice3A_63 : vector<1024x64xf32> to vector<1x1024x64xf32>
    tpu.vector_store %arg9[%swap3A_64, %swap3A_65, %swap3A_66], %swap3A_69 {strides = array<i32>} : memref<4x1024x64xf32, #tpu.memory_space<vmem>>, vector<1x1024x64xf32>,
    return
  }
  func.func @transform_0(%arg0: i32) -> (i32, i32) {
    %c0_i32 = arith.constant 0 : i32
    %c0_i32_0 = arith.constant 0 : i32
    return %arg0, %c0_i32 : i32, i32
  }
  func.func @transform_1(%arg0: i32) -> (i32, i32) {
    %c0_i32 = arith.constant 0 : i32
    %c0_i32_0 = arith.constant 0 : i32
    return %arg0, %c0_i32 : i32, i32
  }
  func.func @transform_2(%arg0: i32) -> (i32, i32, i32) {
    %c0_i32 = arith.constant 0 : i32
    %c0_i32_0 = arith.constant 0 : i32
    %c0_i32_1 = arith.constant 0 : i32
    return %c0_i32, %arg0, %c0_i32_0 : i32, i32, i32
  }
  func.func @transform_3(%arg0: i32) -> (i32, i32) {
    %c0_i32 = arith.constant 0 : i32
    %c0_i32_0 = arith.constant 0 : i32
    %c0_i32_1 = arith.constant 0 : i32
    return %c0_i32, %c0_i32_0 : i32, i32
  }
  func.func @transform_4(%arg0: i32) -> (i32, i32) {
    %c0_i32 = arith.constant 0 : i32
    %c0_i32_0 = arith.constant 0 : i32
    %c0_i32_1 = arith.constant 0 : i32
    return %c0_i32, %c0_i32_0 : i32, i32
  }
  func.func @transform_5(%arg0: i32) -> (i32, i32) {
    %c0_i32 = arith.constant 0 : i32
    %c0_i32_0 = arith.constant 0 : i32
    %c0_i32_1 = arith.constant 0 : i32
    return %c0_i32, %c0_i32_0 : i32, i32
  }
  func.func @transform_6(%arg0: i32) -> (i32, i32) {
    %c0_i32 = arith.constant 0 : i32
    %c0_i32_0 = arith.constant 0 : i32
    %c0_i32_1 = arith.constant 0 : i32
    return %c0_i32, %c0_i32_0 : i32, i32
  }
  func.func @transform_7(%arg0: i32) -> (i32, i32) {
    %c0_i32 = arith.constant 0 : i32
    %c0_i32_0 = arith.constant 0 : i32
    %c0_i32_1 = arith.constant 0 : i32
    return %c0_i32, %c0_i32_0 : i32, i32
  }
  func.func @transform_8(%arg0: i32) -> (i32, i32, i32) {
    %c0_i32 = arith.constant 0 : i32
    %c0_i32_0 = arith.constant 0 : i32
    %c0_i32_1 = arith.constant 0 : i32
    return %c0_i32, %arg0, %c0_i32_0 : i32, i32, i32
  }
}

module attributes {stable_mosaic.version = 14 : i64} {
  func.func @_dense2_body(%arg0: i32, %arg1: memref<4x1024x64xf32, #tpu.memory_space<vmem>>, %arg2: memref<2x1024x16xf32, #tpu.memory_space<vmem>>, %arg3: memref<1x128xf32, #tpu.memory_space<vmem>>, %arg4: memref<1x128xf32, #tpu.memory_space<vmem>>, %arg5: memref<128x128xf32, #tpu.memory_space<vmem>>, %arg6: memref<128x128xf32, #tpu.memory_space<vmem>>, %arg7: memref<128x128xf32, #tpu.memory_space<vmem>>, %arg8: memref<4x1024x64xf32, #tpu.memory_space<vmem>>) attributes {dimension_semantics = [#tpu.dimension_semantics<arbitrary>], iteration_bounds = array<i64: 10>, scalar_prefetch = 0 : i64, scratch_operands = 0 : i64, tpu.core_type = #tpu.core_type<tc>, window_params = [{transform_indices = @transform_0, window_bounds = array<i64: 4, 1024, 64>}, {transform_indices = @transform_1, window_bounds = array<i64: 2, 1024, 16>}, {pipeline_mode = #tpu.pipeline_mode<synchronous>, transform_indices = @transform_2, window_bounds = array<i64: 1, 128>}, {pipeline_mode = #tpu.pipeline_mode<synchronous>, transform_indices = @transform_3, window_bounds = array<i64: 1, 128>}, {pipeline_mode = #tpu.pipeline_mode<synchronous>, transform_indices = @transform_4, window_bounds = array<i64: 128, 128>}, {pipeline_mode = #tpu.pipeline_mode<synchronous>, transform_indices = @transform_5, window_bounds = array<i64: 128, 128>}, {pipeline_mode = #tpu.pipeline_mode<synchronous>, transform_indices = @transform_6, window_bounds = array<i64: 128, 128>}, {transform_indices = @transform_7, window_bounds = array<i64: 4, 1024, 64>}]} {
    %get3A = arith.constant 0 : index
    %get3A_0 = arith.constant 0 : index
    %get3A_1 = arith.constant 0 : index
    %get3A_2 = vector.load %arg2[%get3A, %get3A_0, %get3A_1] : memref<2x1024x16xf32, #tpu.memory_space<vmem>>, vector<1x1024x16xf32>
    %get3A_3 = vector.shape_cast %get3A_2 : vector<1x1024x16xf32> to vector<1024x16xf32>
    %get3A_4 = arith.constant 1 : index
    %get3A_5 = arith.constant 0 : index
    %get3A_6 = arith.constant 0 : index
    %get3A_7 = vector.load %arg2[%get3A_4, %get3A_5, %get3A_6] : memref<2x1024x16xf32, #tpu.memory_space<vmem>>, vector<1x1024x16xf32>
    %get3A_8 = vector.shape_cast %get3A_7 : vector<1x1024x16xf32> to vector<1024x16xf32>
    %add3A = arith.addf %get3A_3, %get3A_8 : vector<1024x16xf32>
    %slice3A = vector.extract_strided_slice %add3A {offsets = [0, 0], sizes = [1024, 1], strides = [1, 1]} : vector<1024x16xf32> to vector<1024x1xf32>
    %rsqrt3A = math.rsqrt %slice3A : vector<1024x1xf32>
    %get3A_9 = arith.constant 0 : index
    %get3A_10 = arith.constant 0 : index
    %get3A_11 = arith.constant 0 : index
    %get3A_12 = vector.load %arg1[%get3A_9, %get3A_10, %get3A_11] : memref<4x1024x64xf32, #tpu.memory_space<vmem>>, vector<1x1024x64xf32>
    %get3A_13 = vector.shape_cast %get3A_12 : vector<1x1024x64xf32> to vector<1024x64xf32>
    %get3A_14 = arith.constant 1 : index
    %get3A_15 = arith.constant 0 : index
    %get3A_16 = arith.constant 0 : index
    %get3A_17 = vector.load %arg1[%get3A_14, %get3A_15, %get3A_16] : memref<4x1024x64xf32, #tpu.memory_space<vmem>>, vector<1x1024x64xf32>
    %get3A_18 = vector.shape_cast %get3A_17 : vector<1x1024x64xf32> to vector<1024x64xf32>
    %concatenate3A = tpu.concatenate %get3A_13, %get3A_18 in 1 : vector<1024x64xf32>, vector<1024x64xf32> -> vector<1024x128xf32>
    %get3A_19 = arith.constant 2 : index
    %get3A_20 = arith.constant 0 : index
    %get3A_21 = arith.constant 0 : index
    %get3A_22 = vector.load %arg1[%get3A_19, %get3A_20, %get3A_21] : memref<4x1024x64xf32, #tpu.memory_space<vmem>>, vector<1x1024x64xf32>
    %get3A_23 = vector.shape_cast %get3A_22 : vector<1x1024x64xf32> to vector<1024x64xf32>
    %get3A_24 = arith.constant 3 : index
    %get3A_25 = arith.constant 0 : index
    %get3A_26 = arith.constant 0 : index
    %get3A_27 = vector.load %arg1[%get3A_24, %get3A_25, %get3A_26] : memref<4x1024x64xf32, #tpu.memory_space<vmem>>, vector<1x1024x64xf32>
    %get3A_28 = vector.shape_cast %get3A_27 : vector<1x1024x64xf32> to vector<1024x64xf32>
    %concatenate3A_29 = tpu.concatenate %get3A_23, %get3A_28 in 1 : vector<1024x64xf32>, vector<1024x64xf32> -> vector<1024x128xf32>
    %mul3A = vector.broadcast %rsqrt3A : vector<1024x1xf32> to vector<1024x128xf32>
    %mul3A_30 = arith.mulf %concatenate3A, %mul3A : vector<1024x128xf32>
    %get3A_31 = arith.constant 0 : index
    %get3A_32 = arith.constant 0 : index
    %get3A_33 = vector.load %arg3[%get3A_31, %get3A_32] : memref<1x128xf32, #tpu.memory_space<vmem>>, vector<1x128xf32>
    %add3A_34 = vector.broadcast %get3A_33 : vector<1x128xf32> to vector<1024x128xf32>
    %add3A_35 = arith.addf %mul3A_30, %add3A_34 : vector<1024x128xf32>
    %max3A = arith.constant 0.000000e+00 : f32
    %max3A_36 = vector.broadcast %max3A : f32 to vector<1024x128xf32>
    %max3A_37 = arith.maximumf %add3A_35, %max3A_36 : vector<1024x128xf32>
    %mul3A_38 = vector.broadcast %rsqrt3A : vector<1024x1xf32> to vector<1024x128xf32>
    %mul3A_39 = arith.mulf %concatenate3A_29, %mul3A_38 : vector<1024x128xf32>
    %get3A_40 = arith.constant 0 : index
    %get3A_41 = arith.constant 0 : index
    %get3A_42 = vector.load %arg4[%get3A_40, %get3A_41] : memref<1x128xf32, #tpu.memory_space<vmem>>, vector<1x128xf32>
    %add3A_43 = vector.broadcast %get3A_42 : vector<1x128xf32> to vector<1024x128xf32>
    %add3A_44 = arith.addf %mul3A_39, %add3A_43 : vector<1024x128xf32>
    %tanh3A = math.tanh %add3A_44 : vector<1024x128xf32>
    %get3A_45 = arith.constant 0 : index
    %get3A_46 = arith.constant 0 : index
    %get3A_47 = vector.load %arg5[%get3A_45, %get3A_46] : memref<128x128xf32, #tpu.memory_space<vmem>>, vector<128x128xf32>
    %dot_general3A = arith.constant dense<0.000000e+00> : vector<1024x128xf32>
    %dot_general3A_48 = tpu.matmul %max3A_37, %get3A_47, %dot_general3A {dimension_numbers = #tpu.dot_dimension_numbers<[1], [0], [0], [1], [0, 0, 1, 1], [], []>, transpose_lhs_hint = false} : vector<1024x128xf32>, vector<128x128xf32>, vector<1024x128xf32> -> vector<1024x128xf32>
    %get3A_49 = arith.constant 0 : index
    %get3A_50 = arith.constant 0 : index
    %get3A_51 = vector.load %arg6[%get3A_49, %get3A_50] : memref<128x128xf32, #tpu.memory_space<vmem>>, vector<128x128xf32>
    %dot_general3A_52 = arith.constant dense<0.000000e+00> : vector<1024x128xf32>
    %dot_general3A_53 = tpu.matmul %tanh3A, %get3A_51, %dot_general3A_52 {dimension_numbers = #tpu.dot_dimension_numbers<[1], [0], [0], [1], [0, 0, 1, 1], [], []>, transpose_lhs_hint = false} : vector<1024x128xf32>, vector<128x128xf32>, vector<1024x128xf32> -> vector<1024x128xf32>
    %add3A_54 = arith.addf %dot_general3A_48, %dot_general3A_53 : vector<1024x128xf32>
    %mul3A_55 = vector.broadcast %rsqrt3A : vector<1024x1xf32> to vector<1024x128xf32>
    %mul3A_56 = arith.mulf %add3A_54, %mul3A_55 : vector<1024x128xf32>
    %get3A_57 = arith.constant 0 : index
    %get3A_58 = arith.constant 0 : index
    %get3A_59 = vector.load %arg7[%get3A_57, %get3A_58] : memref<128x128xf32, #tpu.memory_space<vmem>>, vector<128x128xf32>
    %dot_general3A_60 = arith.constant dense<0.000000e+00> : vector<1024x128xf32>
    %dot_general3A_61 = tpu.matmul %tanh3A, %get3A_59, %dot_general3A_60 {dimension_numbers = #tpu.dot_dimension_numbers<[1], [0], [0], [1], [0, 0, 1, 1], [], []>, transpose_lhs_hint = false} : vector<1024x128xf32>, vector<128x128xf32>, vector<1024x128xf32> -> vector<1024x128xf32>
    %mul3A_62 = vector.broadcast %rsqrt3A : vector<1024x1xf32> to vector<1024x128xf32>
    %mul3A_63 = arith.mulf %dot_general3A_61, %mul3A_62 : vector<1024x128xf32>
    %slice3A_64 = vector.extract_strided_slice %mul3A_56 {offsets = [0, 0], sizes = [1024, 64], strides = [1, 1]} : vector<1024x128xf32> to vector<1024x64xf32>
    %swap3A = arith.constant 0 : index
    %swap3A_65 = arith.constant 0 : index
    %swap3A_66 = arith.constant 0 : index
    %swap3A_67 = vector.load %arg8[%swap3A, %swap3A_65, %swap3A_66] : memref<4x1024x64xf32, #tpu.memory_space<vmem>>, vector<1x1024x64xf32>
    %swap3A_68 = vector.shape_cast %swap3A_67 : vector<1x1024x64xf32> to vector<1024x64xf32>
    %swap3A_69 = vector.shape_cast %slice3A_64 : vector<1024x64xf32> to vector<1x1024x64xf32>
    tpu.vector_store %arg8[%swap3A, %swap3A_65, %swap3A_66], %swap3A_69 {strides = array<i32>} : memref<4x1024x64xf32, #tpu.memory_space<vmem>>, vector<1x1024x64xf32>,
    %slice3A_70 = vector.extract_strided_slice %mul3A_56 {offsets = [0, 64], sizes = [1024, 64], strides = [1, 1]} : vector<1024x128xf32> to vector<1024x64xf32>
    %swap3A_71 = arith.constant 1 : index
    %swap3A_72 = arith.constant 0 : index
    %swap3A_73 = arith.constant 0 : index
    %swap3A_74 = vector.load %arg8[%swap3A_71, %swap3A_72, %swap3A_73] : memref<4x1024x64xf32, #tpu.memory_space<vmem>>, vector<1x1024x64xf32>
    %swap3A_75 = vector.shape_cast %swap3A_74 : vector<1x1024x64xf32> to vector<1024x64xf32>
    %swap3A_76 = vector.shape_cast %slice3A_70 : vector<1024x64xf32> to vector<1x1024x64xf32>
    tpu.vector_store %arg8[%swap3A_71, %swap3A_72, %swap3A_73], %swap3A_76 {strides = array<i32>} : memref<4x1024x64xf32, #tpu.memory_space<vmem>>, vector<1x1024x64xf32>,
    %slice3A_77 = vector.extract_strided_slice %mul3A_63 {offsets = [0, 0], sizes = [1024, 64], strides = [1, 1]} : vector<1024x128xf32> to vector<1024x64xf32>
    %swap3A_78 = arith.constant 2 : index
    %swap3A_79 = arith.constant 0 : index
    %swap3A_80 = arith.constant 0 : index
    %swap3A_81 = vector.load %arg8[%swap3A_78, %swap3A_79, %swap3A_80] : memref<4x1024x64xf32, #tpu.memory_space<vmem>>, vector<1x1024x64xf32>
    %swap3A_82 = vector.shape_cast %swap3A_81 : vector<1x1024x64xf32> to vector<1024x64xf32>
    %swap3A_83 = vector.shape_cast %slice3A_77 : vector<1024x64xf32> to vector<1x1024x64xf32>
    tpu.vector_store %arg8[%swap3A_78, %swap3A_79, %swap3A_80], %swap3A_83 {strides = array<i32>} : memref<4x1024x64xf32, #tpu.memory_space<vmem>>, vector<1x1024x64xf32>,
    %slice3A_84 = vector.extract_strided_slice %mul3A_63 {offsets = [0, 64], sizes = [1024, 64], strides = [1, 1]} : vector<1024x128xf32> to vector<1024x64xf32>
    %swap3A_85 = arith.constant 3 : index
    %swap3A_86 = arith.constant 0 : index
    %swap3A_87 = arith.constant 0 : index
    %swap3A_88 = vector.load %arg8[%swap3A_85, %swap3A_86, %swap3A_87] : memref<4x1024x64xf32, #tpu.memory_space<vmem>>, vector<1x1024x64xf32>
    %swap3A_89 = vector.shape_cast %swap3A_88 : vector<1x1024x64xf32> to vector<1024x64xf32>
    %swap3A_90 = vector.shape_cast %slice3A_84 : vector<1024x64xf32> to vector<1x1024x64xf32>
    tpu.vector_store %arg8[%swap3A_85, %swap3A_86, %swap3A_87], %swap3A_90 {strides = array<i32>} : memref<4x1024x64xf32, #tpu.memory_space<vmem>>, vector<1x1024x64xf32>,
    return
  }
  func.func @transform_0(%arg0: i32) -> (i32, i32, i32) {
    %c0_i32 = arith.constant 0 : i32
    %c0_i32_0 = arith.constant 0 : i32
    %c0_i32_1 = arith.constant 0 : i32
    return %c0_i32, %arg0, %c0_i32_0 : i32, i32, i32
  }
  func.func @transform_1(%arg0: i32) -> (i32, i32, i32) {
    %c0_i32 = arith.constant 0 : i32
    %c0_i32_0 = arith.constant 0 : i32
    %c0_i32_1 = arith.constant 0 : i32
    return %c0_i32, %arg0, %c0_i32_0 : i32, i32, i32
  }
  func.func @transform_2(%arg0: i32) -> (i32, i32) {
    %c0_i32 = arith.constant 0 : i32
    %c0_i32_0 = arith.constant 0 : i32
    %c0_i32_1 = arith.constant 0 : i32
    return %c0_i32, %c0_i32_0 : i32, i32
  }
  func.func @transform_3(%arg0: i32) -> (i32, i32) {
    %c0_i32 = arith.constant 0 : i32
    %c0_i32_0 = arith.constant 0 : i32
    %c0_i32_1 = arith.constant 0 : i32
    return %c0_i32, %c0_i32_0 : i32, i32
  }
  func.func @transform_4(%arg0: i32) -> (i32, i32) {
    %c0_i32 = arith.constant 0 : i32
    %c0_i32_0 = arith.constant 0 : i32
    %c0_i32_1 = arith.constant 0 : i32
    return %c0_i32, %c0_i32_0 : i32, i32
  }
  func.func @transform_5(%arg0: i32) -> (i32, i32) {
    %c0_i32 = arith.constant 0 : i32
    %c0_i32_0 = arith.constant 0 : i32
    %c0_i32_1 = arith.constant 0 : i32
    return %c0_i32, %c0_i32_0 : i32, i32
  }
  func.func @transform_6(%arg0: i32) -> (i32, i32) {
    %c0_i32 = arith.constant 0 : i32
    %c0_i32_0 = arith.constant 0 : i32
    %c0_i32_1 = arith.constant 0 : i32
    return %c0_i32, %c0_i32_0 : i32, i32
  }
  func.func @transform_7(%arg0: i32) -> (i32, i32, i32) {
    %c0_i32 = arith.constant 0 : i32
    %c0_i32_0 = arith.constant 0 : i32
    %c0_i32_1 = arith.constant 0 : i32
    return %c0_i32, %arg0, %c0_i32_0 : i32, i32, i32
  }
}

module attributes {stable_mosaic.version = 14 : i64} {
  func.func @_dense3_body(%arg0: i32, %arg1: memref<4x1024x64xf32, #tpu.memory_space<vmem>>, %arg2: memref<2x1024x16xf32, #tpu.memory_space<vmem>>, %arg3: memref<1x128xf32, #tpu.memory_space<vmem>>, %arg4: memref<1x128xf32, #tpu.memory_space<vmem>>, %arg5: memref<128x128xf32, #tpu.memory_space<vmem>>, %arg6: memref<128x128xf32, #tpu.memory_space<vmem>>, %arg7: memref<1x128xf32, #tpu.memory_space<vmem>>, %arg8: memref<128x128xf32, #tpu.memory_space<vmem>>, %arg9: memref<1x128xf32, #tpu.memory_space<vmem>>, %arg10: memref<1024x128xf32, #tpu.memory_space<vmem>>) attributes {dimension_semantics = [#tpu.dimension_semantics<arbitrary>], iteration_bounds = array<i64: 10>, scalar_prefetch = 0 : i64, scratch_operands = 0 : i64, tpu.core_type = #tpu.core_type<tc>, window_params = [{transform_indices = @transform_0, window_bounds = array<i64: 4, 1024, 64>}, {transform_indices = @transform_1, window_bounds = array<i64: 2, 1024, 16>}, {pipeline_mode = #tpu.pipeline_mode<synchronous>, transform_indices = @transform_2, window_bounds = array<i64: 1, 128>}, {pipeline_mode = #tpu.pipeline_mode<synchronous>, transform_indices = @transform_3, window_bounds = array<i64: 1, 128>}, {pipeline_mode = #tpu.pipeline_mode<synchronous>, transform_indices = @transform_4, window_bounds = array<i64: 128, 128>}, {pipeline_mode = #tpu.pipeline_mode<synchronous>, transform_indices = @transform_5, window_bounds = array<i64: 128, 128>}, {pipeline_mode = #tpu.pipeline_mode<synchronous>, transform_indices = @transform_6, window_bounds = array<i64: 1, 128>}, {pipeline_mode = #tpu.pipeline_mode<synchronous>, transform_indices = @transform_7, window_bounds = array<i64: 128, 128>}, {pipeline_mode = #tpu.pipeline_mode<synchronous>, transform_indices = @transform_8, window_bounds = array<i64: 1, 128>}, {transform_indices = @transform_9, window_bounds = array<i64: 1024, 128>}]} {
    %get3A = arith.constant 0 : index
    %get3A_0 = arith.constant 0 : index
    %get3A_1 = arith.constant 0 : index
    %get3A_2 = vector.load %arg2[%get3A, %get3A_0, %get3A_1] : memref<2x1024x16xf32, #tpu.memory_space<vmem>>, vector<1x1024x16xf32>
    %get3A_3 = vector.shape_cast %get3A_2 : vector<1x1024x16xf32> to vector<1024x16xf32>
    %get3A_4 = arith.constant 1 : index
    %get3A_5 = arith.constant 0 : index
    %get3A_6 = arith.constant 0 : index
    %get3A_7 = vector.load %arg2[%get3A_4, %get3A_5, %get3A_6] : memref<2x1024x16xf32, #tpu.memory_space<vmem>>, vector<1x1024x16xf32>
    %get3A_8 = vector.shape_cast %get3A_7 : vector<1x1024x16xf32> to vector<1024x16xf32>
    %add3A = arith.addf %get3A_3, %get3A_8 : vector<1024x16xf32>
    %slice3A = vector.extract_strided_slice %add3A {offsets = [0, 0], sizes = [1024, 1], strides = [1, 1]} : vector<1024x16xf32> to vector<1024x1xf32>
    %rsqrt3A = math.rsqrt %slice3A : vector<1024x1xf32>
    %get3A_9 = arith.constant 0 : index
    %get3A_10 = arith.constant 0 : index
    %get3A_11 = arith.constant 0 : index
    %get3A_12 = vector.load %arg1[%get3A_9, %get3A_10, %get3A_11] : memref<4x1024x64xf32, #tpu.memory_space<vmem>>, vector<1x1024x64xf32>
    %get3A_13 = vector.shape_cast %get3A_12 : vector<1x1024x64xf32> to vector<1024x64xf32>
    %get3A_14 = arith.constant 1 : index
    %get3A_15 = arith.constant 0 : index
    %get3A_16 = arith.constant 0 : index
    %get3A_17 = vector.load %arg1[%get3A_14, %get3A_15, %get3A_16] : memref<4x1024x64xf32, #tpu.memory_space<vmem>>, vector<1x1024x64xf32>
    %get3A_18 = vector.shape_cast %get3A_17 : vector<1x1024x64xf32> to vector<1024x64xf32>
    %concatenate3A = tpu.concatenate %get3A_13, %get3A_18 in 1 : vector<1024x64xf32>, vector<1024x64xf32> -> vector<1024x128xf32>
    %get3A_19 = arith.constant 2 : index
    %get3A_20 = arith.constant 0 : index
    %get3A_21 = arith.constant 0 : index
    %get3A_22 = vector.load %arg1[%get3A_19, %get3A_20, %get3A_21] : memref<4x1024x64xf32, #tpu.memory_space<vmem>>, vector<1x1024x64xf32>
    %get3A_23 = vector.shape_cast %get3A_22 : vector<1x1024x64xf32> to vector<1024x64xf32>
    %get3A_24 = arith.constant 3 : index
    %get3A_25 = arith.constant 0 : index
    %get3A_26 = arith.constant 0 : index
    %get3A_27 = vector.load %arg1[%get3A_24, %get3A_25, %get3A_26] : memref<4x1024x64xf32, #tpu.memory_space<vmem>>, vector<1x1024x64xf32>
    %get3A_28 = vector.shape_cast %get3A_27 : vector<1x1024x64xf32> to vector<1024x64xf32>
    %concatenate3A_29 = tpu.concatenate %get3A_23, %get3A_28 in 1 : vector<1024x64xf32>, vector<1024x64xf32> -> vector<1024x128xf32>
    %mul3A = vector.broadcast %rsqrt3A : vector<1024x1xf32> to vector<1024x128xf32>
    %mul3A_30 = arith.mulf %concatenate3A, %mul3A : vector<1024x128xf32>
    %get3A_31 = arith.constant 0 : index
    %get3A_32 = arith.constant 0 : index
    %get3A_33 = vector.load %arg3[%get3A_31, %get3A_32] : memref<1x128xf32, #tpu.memory_space<vmem>>, vector<1x128xf32>
    %add3A_34 = vector.broadcast %get3A_33 : vector<1x128xf32> to vector<1024x128xf32>
    %add3A_35 = arith.addf %mul3A_30, %add3A_34 : vector<1024x128xf32>
    %max3A = arith.constant 0.000000e+00 : f32
    %max3A_36 = vector.broadcast %max3A : f32 to vector<1024x128xf32>
    %max3A_37 = arith.maximumf %add3A_35, %max3A_36 : vector<1024x128xf32>
    %mul3A_38 = vector.broadcast %rsqrt3A : vector<1024x1xf32> to vector<1024x128xf32>
    %mul3A_39 = arith.mulf %concatenate3A_29, %mul3A_38 : vector<1024x128xf32>
    %get3A_40 = arith.constant 0 : index
    %get3A_41 = arith.constant 0 : index
    %get3A_42 = vector.load %arg4[%get3A_40, %get3A_41] : memref<1x128xf32, #tpu.memory_space<vmem>>, vector<1x128xf32>
    %add3A_43 = vector.broadcast %get3A_42 : vector<1x128xf32> to vector<1024x128xf32>
    %add3A_44 = arith.addf %mul3A_39, %add3A_43 : vector<1024x128xf32>
    %tanh3A = math.tanh %add3A_44 : vector<1024x128xf32>
    %get3A_45 = arith.constant 0 : index
    %get3A_46 = arith.constant 0 : index
    %get3A_47 = vector.load %arg5[%get3A_45, %get3A_46] : memref<128x128xf32, #tpu.memory_space<vmem>>, vector<128x128xf32>
    %dot_general3A = arith.constant dense<0.000000e+00> : vector<1024x128xf32>
    %dot_general3A_48 = tpu.matmul %max3A_37, %get3A_47, %dot_general3A {dimension_numbers = #tpu.dot_dimension_numbers<[1], [0], [0], [1], [0, 0, 1, 1], [], []>, transpose_lhs_hint = false} : vector<1024x128xf32>, vector<128x128xf32>, vector<1024x128xf32> -> vector<1024x128xf32>
    %get3A_49 = arith.constant 0 : index
    %get3A_50 = arith.constant 0 : index
    %get3A_51 = vector.load %arg6[%get3A_49, %get3A_50] : memref<128x128xf32, #tpu.memory_space<vmem>>, vector<128x128xf32>
    %dot_general3A_52 = arith.constant dense<0.000000e+00> : vector<1024x128xf32>
    %dot_general3A_53 = tpu.matmul %tanh3A, %get3A_51, %dot_general3A_52 {dimension_numbers = #tpu.dot_dimension_numbers<[1], [0], [0], [1], [0, 0, 1, 1], [], []>, transpose_lhs_hint = false} : vector<1024x128xf32>, vector<128x128xf32>, vector<1024x128xf32> -> vector<1024x128xf32>
    %add3A_54 = arith.addf %dot_general3A_48, %dot_general3A_53 : vector<1024x128xf32>
    %get3A_55 = arith.constant 0 : index
    %get3A_56 = arith.constant 0 : index
    %get3A_57 = vector.load %arg7[%get3A_55, %get3A_56] : memref<1x128xf32, #tpu.memory_space<vmem>>, vector<1x128xf32>
    %add3A_58 = vector.broadcast %get3A_57 : vector<1x128xf32> to vector<1024x128xf32>
    %add3A_59 = arith.addf %add3A_54, %add3A_58 : vector<1024x128xf32>
    %max3A_60 = arith.constant 0.000000e+00 : f32
    %max3A_61 = vector.broadcast %max3A_60 : f32 to vector<1024x128xf32>
    %max3A_62 = arith.maximumf %add3A_59, %max3A_61 : vector<1024x128xf32>
    %get3A_63 = arith.constant 0 : index
    %get3A_64 = arith.constant 0 : index
    %get3A_65 = vector.load %arg8[%get3A_63, %get3A_64] : memref<128x128xf32, #tpu.memory_space<vmem>>, vector<128x128xf32>
    %dot_general3A_66 = arith.constant dense<0.000000e+00> : vector<1024x128xf32>
    %dot_general3A_67 = tpu.matmul %max3A_62, %get3A_65, %dot_general3A_66 {dimension_numbers = #tpu.dot_dimension_numbers<[1], [0], [0], [1], [0, 0, 1, 1], [], []>, transpose_lhs_hint = false} : vector<1024x128xf32>, vector<128x128xf32>, vector<1024x128xf32> -> vector<1024x128xf32>
    %get3A_68 = arith.constant 0 : index
    %get3A_69 = arith.constant 0 : index
    %get3A_70 = vector.load %arg9[%get3A_68, %get3A_69] : memref<1x128xf32, #tpu.memory_space<vmem>>, vector<1x128xf32>
    %add3A_71 = vector.broadcast %get3A_70 : vector<1x128xf32> to vector<1024x128xf32>
    %add3A_72 = arith.addf %dot_general3A_67, %add3A_71 : vector<1024x128xf32>
    %iota3A = tpu.iota {dimensions = array<i32: 1>} : vector<1024x128xi32>
    %lt3A = arith.constant 40 : i32
    %lt3A_73 = vector.broadcast %lt3A : i32 to vector<1024x128xi32>
    %lt3A_74 = arith.cmpi slt, %iota3A, %lt3A_73 : vector<1024x128xi32>
    %jit3A = arith.constant -3.000000e+38 : f32
    %broadcast_in_dim3A = vector.broadcast %jit3A : f32 to vector<1024x128xf32>
    %select_n3A = arith.select %lt3A_74, %add3A_72, %broadcast_in_dim3A : vector<1024x128xi1>, vector<1024x128xf32>
    %reduce_max3A = arith.constant dense<0xFF800000> : vector<1024xf32>
    %reduce_max3A_75 = vector.multi_reduction <maximumf>, %select_n3A, %reduce_max3A [1] : vector<1024x128xf32> to vector<1024xf32>
    %broadcast_in_dim3A_76 = vector.shape_cast %reduce_max3A_75 : vector<1024xf32> to vector<1024x1xf32>
    %sub3A = vector.broadcast %broadcast_in_dim3A_76 : vector<1024x1xf32> to vector<1024x128xf32>
    %sub3A_77 = arith.subf %add3A_72, %sub3A : vector<1024x128xf32>
    %exp3A = math.exp %sub3A_77 : vector<1024x128xf32>
    %jit3A_78 = arith.constant 0.000000e+00 : f32
    %broadcast_in_dim3A_79 = vector.broadcast %jit3A_78 : f32 to vector<1024x128xf32>
    %select_n3A_80 = arith.select %lt3A_74, %exp3A, %broadcast_in_dim3A_79 : vector<1024x128xi1>, vector<1024x128xf32>
    %reduce_sum3A = arith.constant dense<0.000000e+00> : vector<1024xf32>
    %reduce_sum3A_81 = vector.multi_reduction <add>, %select_n3A_80, %reduce_sum3A [1] : vector<1024x128xf32> to vector<1024xf32>
    %broadcast_in_dim3A_82 = vector.shape_cast %reduce_sum3A_81 : vector<1024xf32> to vector<1024x1xf32>
    %log3A = math.log %broadcast_in_dim3A_82 : vector<1024x1xf32>
    %sub3A_83 = vector.broadcast %broadcast_in_dim3A_76 : vector<1024x1xf32> to vector<1024x128xf32>
    %sub3A_84 = arith.subf %add3A_72, %sub3A_83 : vector<1024x128xf32>
    %sub3A_85 = vector.broadcast %log3A : vector<1024x1xf32> to vector<1024x128xf32>
    %sub3A_86 = arith.subf %sub3A_84, %sub3A_85 : vector<1024x128xf32>
    %swap3A = arith.constant 0 : index
    %swap3A_87 = arith.constant 0 : index
    %swap3A_88 = vector.load %arg10[%swap3A, %swap3A_87] : memref<1024x128xf32, #tpu.memory_space<vmem>>, vector<1024x128xf32>
    tpu.vector_store %arg10[%swap3A, %swap3A_87], %sub3A_86 {strides = array<i32>} : memref<1024x128xf32, #tpu.memory_space<vmem>>, vector<1024x128xf32>,
    return
  }
  func.func @transform_0(%arg0: i32) -> (i32, i32, i32) {
    %c0_i32 = arith.constant 0 : i32
    %c0_i32_0 = arith.constant 0 : i32
    %c0_i32_1 = arith.constant 0 : i32
    return %c0_i32, %arg0, %c0_i32_0 : i32, i32, i32
  }
  func.func @transform_1(%arg0: i32) -> (i32, i32, i32) {
    %c0_i32 = arith.constant 0 : i32
    %c0_i32_0 = arith.constant 0 : i32
    %c0_i32_1 = arith.constant 0 : i32
    return %c0_i32, %arg0, %c0_i32_0 : i32, i32, i32
  }
  func.func @transform_2(%arg0: i32) -> (i32, i32) {
    %c0_i32 = arith.constant 0 : i32
    %c0_i32_0 = arith.constant 0 : i32
    %c0_i32_1 = arith.constant 0 : i32
    return %c0_i32, %c0_i32_0 : i32, i32
  }
  func.func @transform_3(%arg0: i32) -> (i32, i32) {
    %c0_i32 = arith.constant 0 : i32
    %c0_i32_0 = arith.constant 0 : i32
    %c0_i32_1 = arith.constant 0 : i32
    return %c0_i32, %c0_i32_0 : i32, i32
  }
  func.func @transform_4(%arg0: i32) -> (i32, i32) {
    %c0_i32 = arith.constant 0 : i32
    %c0_i32_0 = arith.constant 0 : i32
    %c0_i32_1 = arith.constant 0 : i32
    return %c0_i32, %c0_i32_0 : i32, i32
  }
  func.func @transform_5(%arg0: i32) -> (i32, i32) {
    %c0_i32 = arith.constant 0 : i32
    %c0_i32_0 = arith.constant 0 : i32
    %c0_i32_1 = arith.constant 0 : i32
    return %c0_i32, %c0_i32_0 : i32, i32
  }
  func.func @transform_6(%arg0: i32) -> (i32, i32) {
    %c0_i32 = arith.constant 0 : i32
    %c0_i32_0 = arith.constant 0 : i32
    %c0_i32_1 = arith.constant 0 : i32
    return %c0_i32, %c0_i32_0 : i32, i32
  }
  func.func @transform_7(%arg0: i32) -> (i32, i32) {
    %c0_i32 = arith.constant 0 : i32
    %c0_i32_0 = arith.constant 0 : i32
    %c0_i32_1 = arith.constant 0 : i32
    return %c0_i32, %c0_i32_0 : i32, i32
  }
  func.func @transform_8(%arg0: i32) -> (i32, i32) {
    %c0_i32 = arith.constant 0 : i32
    %c0_i32_0 = arith.constant 0 : i32
    %c0_i32_1 = arith.constant 0 : i32
    return %c0_i32, %c0_i32_0 : i32, i32
  }
  func.func @transform_9(%arg0: i32) -> (i32, i32) {
    %c0_i32 = arith.constant 0 : i32
    %c0_i32_0 = arith.constant 0 : i32
    return %arg0, %c0_i32 : i32, i32
  }
}

</mosaic_0001>

<sc_bundles>
// kernel: kernel.11.cloned.1.call-start
scs
__scs_entry_jumppad:
0x0: {  	(pc) =	sbr.rel $0x88, $3  }
0x1: {  	(tag) =	ssettag $0x0;
	lr =	simm.s32 $0x1  }
0x2: {  	[smem:$0x3F90] =	sst lr;
	_ =	strace $0xD0000000  }
0x3: {  	_ = 	snop  }
0x4: {  	_ = 	snop  }
0x5: {  	_ = 	snop  }
0x6: {  	_ = 	snop  }
0x7: {  	_ = 	snop  }
__scs_overlays_trampoline_lowered:
0x8: {  	[smem:$0x3F9F] =	sst s0  }
0x9: {  	[smem:$0x3FA0] =	sst s1  }
0xa: {  	[smem:$0x3FA1] =	sst s2  }
0xb: {  	[smem:$0x3FA2] =	sst s3  }
0xc: {  	[smem:$0x3FA3] =	sst s4  }
0xd: {  	[smem:$0x3FA4] =	sst s5  }
0xe: {  	[smem:$0x3FA5] =	sst s6  }
0xf: {  	[smem:$0x3FA6] =	sst s7  }
0x10: {  	[smem:$0x3FA7] =	sst s8  }
0x11: {  	[smem:$0x3FA8] =	sst s9;
	s0 =	simm.s32 @!p0 $0x0  }
0x12: {  	s1 =	sld [smem:$0x3F8E];
	s0 =	simm.s32 @p0 $0x1  }
0x13: {  	[smem:$0x3FA9] =	sst s0;
	s0 =	simm.s32 @!p1 $0x0  }
0x14: {  	s2 =	sld [smem:$0x3F8D];
	s0 =	simm.s32 @p1 $0x1  }
0x15: {  	[smem:$0x3FAA] =	sst s0;
	s0 =	simm.s32 @!p2 $0x0  }
0x16: {  	s3 =	sld [smem:$0x3FDB];
	s0 =	simm.s32 @p2 $0x1  }
0x17: {  	s4 =	simm.s32 $0x1BF5;
	[smem:$0x3FAC] =	sst s0  }
0x18: {  	s0 =	sld [smem:$0x3F8F];
	_ =	swait.ge [sflag:s4], $0x0  }
0x19: {  	s7 =	sld [smem:$0x3F90]  }
0x1a: {  	s8 =	sadd.s32 $0xFFFFE003, lr  }
0x1b: {  	s9 =	sadd.s32 $0xFFFFFEF7, lr;
	s5 =	simm.s32 $0xFFFFFFFF;
	p2 =	slt.u32 s8, $0xFFFFF086  }
0x1c: {  	p1 =	slt.u32 s9, $0xF7A;
	s5 =	simm.s32 @!p2 $0x0  }
0x1d: {  	s5 =	simm.s32 @p1 $0x1;
	p0 =	seq.s32 s7, s2  }
0x1e: {  	s7 =	smul.u32 @!p0 $0xF7A, s2;
	p2 =	seq.s32 @!p0 s5, $0x0  }
0x1f: {  	s9 =	smul.u32 $0xF7A, s1;
	s8 =	simm.s32 @!p0 $0x1BF5;
	p2 =	por !p2, p0  }
0x20: {  	[sflag:s8] =	ssyncset.s32 @!p0 $0xFFFFF086;
	s6 =	sadd.s32 @!p0 s3, s7;
	s7 =	simm.s32 @!p0 $0x108  }
0x21: {  	s3 =	sadd.s32 s3, s9;
	s6 =	sadd.s32 @!p0 $0x88, s6;
	s7 =	simm.s32 @p2 $0x1082  }
0x22: {  	[simem:s7], [sflag:s8] =	dma.local @!p0 [hbm:s6], $0xF7A  }
0x23: {  	s9 =	sor.u32 $0xD0000000, s2;
	s6 =	simm.s32 $0x108;
	_ =	swait.ge @!p0 [sflag:s8], $0x0  }
0x24: {  	s3 =	sadd.s32 $0x88, s3;
	s6 =	simm.s32 @!p1 $0x1082;
	[sflag:s4] =	ssyncset.s32 $0xFFFFF086  }
0x25: {  	[simem:s6], [sflag:s4] =	dma.local [hbm:s3], $0xF7A  }
0x26: {  	[smem:$0x3F90] =	sst s1;
	(tag) =	ssettag s2;
	_ =	strace s9  }
0x27: {  	s1 =	sld [smem:$0x3FA0]  }
0x28: {  	s2 =	sld [smem:$0x3FA1]  }
0x29: {  	s4 =	sld [smem:$0x3FA3]  }
0x2a: {  	p0 =	seq.s32 s5, $0x0;
	s5 =	sld [smem:$0x3FA4]  }
0x2b: {  	s6 =	sld [smem:$0x3FA5]  }
0x2c: {  	s7 =	sld [smem:$0x3FA6]  }
0x2d: {  	s3 =	simm.s32 $0x108;
	s8 =	sld [smem:$0x3FA7]  }
0x2e: {  	s3 =	simm.s32 @!p0 $0x1082;
	s9 =	sld [smem:$0x3FA8]  }
0x2f: {  	lr =	sadd.s32 s0, s3;
	s0 =	sld [smem:$0x3F9F]  }
0x30: {  	s3 =	sld [smem:$0x3FA2]  }
0x31: {  	[smem:$0x3FAB] =	sst s10  }
0x32: {  	s10 =	sld [smem:$0x3FA9];
	_ =	sdelay $0x3  }
0x33: {  	p0 =	seq.s32 s10, $0x1;
	s10 =	sld [smem:$0x3FAB];
	_ =	sdelay $0x3  }
0x34: {  	[smem:$0x3FAB] =	sst s10  }
0x35: {  	s10 =	sld [smem:$0x3FAA];
	_ =	sdelay $0x3  }
0x36: {  	p1 =	seq.s32 s10, $0x1;
	s10 =	sld [smem:$0x3FAB];
	_ =	sdelay $0x3  }
0x37: {  	[smem:$0x3FAB] =	sst s10  }
0x38: {  	s10 =	sld [smem:$0x3FAC]  }
0x39: {  	_ = 	snop;
	(pc) =	sbr.ind lr, $3  }
0x3a: {  	_ = 	snop  }
0x3b: {  	_ = 	snop  }
0x3c: {  	p2 =	seq.s32 s10, $0x1;
	s10 =	sld [smem:$0x3FAB]  }
0x3d: {  	_ =	shalt  }
0x3e: {  	_ =	shalt  }
0x3f: {  	_ =	shalt  }
0x40: {  	_ =	shalt  }
0x41: {  	_ =	shalt  }
0x42: {  	_ =	shalt  }
0x43: {  	_ =	shalt  }
0x44: {  	_ =	shalt  }
0x45: {  	_ =	shalt  }
0x46: {  	_ =	shalt  }
0x47: {  	_ =	shalt  }
0x48: {  	_ =	shalt  }
0x49: {  	_ =	shalt  }
0x4a: {  	_ =	shalt  }
0x4b: {  	_ =	shalt  }
0x4c: {  	_ =	shalt  }
0x4d: {  	_ =	shalt  }
0x4e: {  	_ =	shalt  }
0x4f: {  	_ =	shalt  }
0x50: {  	_ =	shalt  }
0x51: {  	_ =	shalt  }
0x52: {  	_ =	shalt  }
0x53: {  	_ =	shalt  }
0x54: {  	_ =	shalt  }
0x55: {  	_ =	shalt  }
0x56: {  	_ =	shalt  }
0x57: {  	_ =	shalt  }
0x58: {  	_ =	shalt  }
0x59: {  	_ =	shalt  }
0x5a: {  	_ =	shalt  }
0x5b: {  	_ =	shalt  }
0x5c: {  	_ =	shalt  }
0x5d: {  	_ =	shalt  }
0x5e: {  	_ =	shalt  }
0x5f: {  	_ =	shalt  }
0x60: {  	_ =	shalt  }
0x61: {  	_ =	shalt  }
0x62: {  	_ =	shalt  }
0x63: {  	_ =	shalt  }
0x64: {  	_ =	shalt  }
0x65: {  	_ =	shalt  }
0x66: {  	_ =	shalt  }
0x67: {  	_ =	shalt  }
0x68: {  	_ =	shalt  }
0x69: {  	_ =	shalt  }
0x6a: {  	_ =	shalt  }
0x6b: {  	_ =	shalt  }
0x6c: {  	_ =	shalt  }
0x6d: {  	_ =	shalt  }
0x6e: {  	_ =	shalt  }
0x6f: {  	_ =	shalt  }
0x70: {  	_ =	shalt  }
0x71: {  	_ =	shalt  }
0x72: {  	_ =	shalt  }
0x73: {  	_ =	shalt  }
0x74: {  	_ =	shalt  }
0x75: {  	_ =	shalt  }
0x76: {  	_ =	shalt  }
0x77: {  	_ =	shalt  }
0x78: {  	_ =	shalt  }
0x79: {  	_ =	shalt  }
0x7a: {  	_ =	shalt  }
0x7b: {  	_ =	shalt  }
0x7c: {  	_ =	shalt  }
0x7d: {  	_ =	shalt  }
0x7e: {  	_ =	shalt  }
0x7f: {  	_ =	shalt  }
0x80: {  	_ =	shalt  }
0x81: {  	_ =	shalt  }
0x82: {  	_ =	shalt  }
0x83: {  	_ =	shalt  }
0x84: {  	_ =	shalt  }
0x85: {  	_ =	shalt  }
0x86: {  	_ =	shalt  }
0x87: {  	_ =	shalt  }
.Lfunc_end0:
.L_simem_size_0:
called_computation.1_lowered:
.L_overlay_start_0:
0x88: {  	s2 =	sld [smem:$0x3FD9]  }
0x89: {  	s3 =	sld [smem:$0x3FFE];
	_ =	sdelay $0x1  }
0x8a: {  	s1 =	srdreg.scid  }
0x8b: {  	s0 =	sand.u32 $0x1, s1  }
0x8c: {  	s17 =	sshll.u32 s0, $0xA;
	s2 =	sadd.s32 s3, s2  }
0x8d: {  	s2 =	sadd.s32 s2, s17  }
0x8e: {  	[smem:$0x3FB7] =	sst s2  }
0x8f: {  	_ = 	snop  }
0x90: {  	s2 =	sld [smem:$0x3FD0];
	(tm) =	ssettm $0x1  }
0x91: {  	s18 =	sld [smem:$0x3FFB];
	_ =	sdelay $0x3  }
0x92: {  	_ =	strace s18  }
0x93: {  	s3 =	sld [smem:$0x3FFC];
	_ =	sdelay $0x3  }
0x94: {  	_ =	strace s3  }
0x95: {  	s3 =	sld [smem:$0x3FFD];
	_ =	sdelay $0x3  }
0x96: {  	_ =	strace s3  }
0x97: {  	_ =	strace $0x8FFFFFFF  }
0x98: {  	s19 =	sld [smem:$0x3FDB];
	_ =	sdelay $0x1  }
0x99: {  	s4 =	simm.s32 $_scs_section_size  }
0x9a: {  	s5 =	simm.s32 $_size__tile_overlayer_lowered;
	s6 =	simm.s32 $_tile_overlayer_lowered  }
0x9b: {  	s22 =	simm.s32 $0x1BFF;
	s21 =	sshll.u32 s6, $0x1;
	s3 =	sadd.s32 s4, s19  }
0x9c: {  	s7 =	simm.s32 $0x0;
	s20 =	sshll.u32 s5, $0x1;
	s5 =	sadd.s32 s21, s3  }
0x9d: {  	[timem:s7], [sflag:s22] =	dma.local [hbm:s5], s20  }
0x9e: {  	_ =	swait.ge [sflag:s22], s20  }
0x9f: {  	s4 =	ssub.s32 $0x0, s20;
	[sflag:s22] =	ssyncset.done $0x0  }
0xa0: {  	[sflag:s22] =	ssyncadd.s32 s4;
	_ =	sdelay $0x1  }
0xa1: {  	s23 =	simm.s32 $0x1B8B  }
0xa2: {  	_ =	swait.ge [sflag:s23], $0x1  }
0xa3: {  	[sflag:s23] =	ssyncset.done $0x0  }
0xa4: {  	s25 =	simm.s32 $0x1B8E;
	s24 =	sld [smem:$0x3FFE];
	[sflag:s23] =	ssyncadd.s32 $0xFFFFFFFF  }
0xa5: {  	s26 =	simm.s32 $execute0_lowered;
	[smem:$0x3FD2] =	sst s25  }
0xa6: {  	s5 =	sshll.u32 s26, $0x1;
	_ =	strace $0x80000049;
	[dreg:$0x1] =	wrdreg $0xFFFFFFFF  }
0xa7: {  	s28 =	simm.s32 $_size_execute0_lowered;
	s3 =	sadd.s32 s3, s5;
	[dreg:$0x0] =	wrdreg $0x0  }
0xa8: {  	s5 =	sshll.u32 s28, $0x1;
	[dreg:$0x2] =	wrdreg s3  }
0xa9: {  	[dreg:$0x3] =	wrdreg s5  }
0xaa: {  	[dreg:$0x4] =	wrdreg $0xC0  }
0xab: {  	_ =	task [dreg:s7], $0x5FFFF  }
0xac: {  	[dreg:$0x1] =	wrdreg $0xFFFFFFFF  }
0xad: {  	[dreg:$0x0] =	wrdreg $0x60  }
0xae: {  	[dreg:$0x2] =	wrdreg s24  }
0xaf: {  	[dreg:$0x3] =	wrdreg s2  }
0xb0: {  	[dreg:$0x4] =	wrdreg $0xC4400  }
0xb1: {  	[dreg:$0x5] =	wrdreg $0x9  }
0xb2: {  	_ =	task.clear_ibuf [dreg:s7], $0x6FFFF;
	_ =	strace $0x90000049  }
0xb3: {  	s29 =	simm.s32 $0x9;
	_ =	strace $0x8000004B  }
0xb4: {  	_ =	swait.ge [sflag:s29], $0x1  }
0xb5: {  	[sflag:s29] =	ssyncadd.s32 $0xFFFFFFFF  }
0xb6: {  	_ =	strace $0x9000004B  }
0xb7: {  	_ =	sfence  }
0xb8: {  	s30 =	sld [smem:$0x0];
	_ =	sdelay $0x2  }
0xb9: {  	s31 =	sshll.u32 s1, $0xD;
	s1 =	sshrl.u32 s1, $0x2  }
0xba: {  	s3 =	sand.u32 $0x4000, s31;
	s1 =	sadd.s32 s1, s30  }
0xbb: {  	s0 =	sor.u32 s3, s0;
	s1 =	sshll.u32 s1, $0x11  }
0xbc: {  	s0 =	sor.u32 s1, s0  }
0xbd: {  	s0 =	sadd.s32 $0x8F2B, s0  }
0xbe: {  	[sflag:s0] =	ssyncadd.remote.s32 $0x1  }
0xbf: {  	_ =	sfence.sel $0xFFFF  }
0xc0: {  	[dreg:$0x0] =	wrdreg $0xFFFFFFFF;
	(pc) =	sbr.abs _section_cstart, $3  }
0xc1: {  	[dreg:$0x1] =	wrdreg $0xFFFFFFFF  }
0xc2: {  	_ =	task.clear_ibuf [dreg:s7], $0x2FFFF;
	_ =	strace $0x9FFFFFFF  }
0xc3: {  	(tm) =	ssettm $0x7FFFFFFF  }
tec
execute0_lowered:
.L_overlay_start_1:
0x0: {  	(tag) =	ssettag $0x1  }
0x1: {  	s5 =	rddreg [dreg:$0x0]  }
0x2: {  	s6 =	rddreg [dreg:$0x1]  }
0x3: {  	s1 =	rddreg [dreg:$0x2]  }
0x4: {  	s0 =	rddreg [dreg:$0x3];
	s2 =	stileid.u32  }
0x5: {  	s3 =	simm.s32 $0x0;
	s7 =	srdreg.scid;
	s9 =	smul.u32 $0x280, s2  }
0x6: {  	s21 =	simm.s32 $0x2;
	s22 =	simm.s32 $0x4DD0;
	s11 =	smul.u32 $0x4E20, s2  }
0x7: {  	s23 =	simm.s32 $0x9BA0;
	s7 =	sand.u32 $0x1, s7;
	s13 =	smul.u32 $0xA000, s2  }
0x8: {  	s24 =	simm.s32 $0x9BF0;
	[smem:$0x7FF] =	sst s3;
	s15 =	smul.u32 $0x5000, s7  }
0x9: {  	s4 =	sadd.s32 $0xDA400, s5;
	s10 =	sadd.s32 $0xB3200, s5;
	s26 =	smul.u32 $0x9C400, s7  }
0xa: {  	s25 =	ssub.s32 $0x2, s7;
	s29 =	smul.u32 $0x140000, s7;
	s7 =	sshllo.u32 s7, $0x1  }
0xb: {  	s12 =	sadd.s32 $0x3200, s5;
	s31 =	sshll.u32 s2, $0x6;
	s30 =	smul.u32 $0x2800, s7  }
0xc: {  	_ =	strace $0x8000004A;
	s8 =	sshrl.u32 s25, $0x1;
	s18 =	smul.u32 $0x4E200, s7  }
0xd: {  	s14 =	sshrl.u32 s11, $0x3;
	s17 =	sadd.s32 s13, s1;
	s20 =	smul.u32 $0xA0000, s7  }
0xe: {  	s16 =	ssub.s32 s25, s8;
	s5 =	sadd.s32 s6, s14;
	s28 =	sadd.s32 s9, s15  }
0xf: {  	s6 =	sadd.s32 s11, s26;
	s14 =	sadd.s32 s13, s29;
	s15 =	sor.u32 $0x1C03, s31  }
0x10: {  	s25 =	simm.s32 $0x0;
	s8 =	sshll.u32 s28, $0x3;
	s19 =	sshrl.u32 s6, $0x3  }
0x11: {  	s14 =	sshrl.u32 s14, $0x3;
	s9 =	sadd.s32 s9, s30;
	s11 =	sadd.s32 s11, s18  }
0x12: {  	s13 =	sadd.s32 s13, s20;
	s18 =	simm.s32 $0x9C40;
	s20 =	simm.s32 $0x1  }
0x13: {  	s6 =	sadd.s32 s4, s8;
	s7 =	sadd.s32 s10, s19;
	s8 =	sadd.s32 s12, s14  }
0x14: {  	s9 =	sshll.u32 s9, $0x3;
	s11 =	sshrl.u32 s11, $0x3;
	s13 =	sshrl.u32 s13, $0x3  }
0x15: {  	s14 =	simm.s32 $0x3;
	s19 =	simm.s32 $0xB040;
	s9 =	sadd.s32 s4, s9  }
0x16: {  	s10 =	sadd.s32 s10, s11;
	s11 =	sadd.s32 s12, s13;
	s12 =	smax.u32 s16, $0x1  }
0x17: {  	s13 =	simm.s32 $0x4E20;
	s16 =	sshrl.u32 s17, $0x3;
	s17 =	simm.s32 $0x50  }
.LBB2_1:
0x18: {  	[tilespmem:s13], [sflag:$0x3] =	stream.linear.gather [hbm4b:s5+s3], $0x4E20, $0x38;
	[tilespmem:$0x16440] =	vst v63  }
0x19: {  	_ =	swait.ge [sflag:s14], $0x4E20  }
0x1a: {  	[sflag:s14] =	ssyncset.done $0x0  }
0x1b: {  	[sflag:s14] =	ssyncadd.s32 $0xFFFFB1E0  }
0x1c: {  	[spmem:s16], [sflag:s15] =	dma.local [hbm:s6], $0x1400  }
0x1d: {  	_ =	swait.ge [sflag:s14], $0x1400  }
0x1e: {  	[sflag:s14] =	ssyncset.done $0x0  }
0x1f: {  	[sflag:s14] =	ssyncadd.s32 $0xFFFFEC00  }
0x20: {  	[tilespmem:s3], [sflag:$0x3] =	stream.linear.gather [hbm4b:s7+s3], $0x4E20, $0x38;
	[tilespmem:$0x16440] =	vst v63  }
0x21: {  	_ =	swait.ge [sflag:s14], $0x4E20  }
0x22: {  	[sflag:s14] =	ssyncset.done $0x0  }
0x23: {  	[sflag:s14] =	ssyncadd.s32 $0xFFFFB1E0  }
0x24: {  	[bflag:$0x0] =	sbarrier.arrive $0xFFFF  }
0x25: {  	[tilespmem:s18], [sflag:$0x1] =	stream.indirect.gather [hbm4b:s4+s17], $0x40, s3, s17, $0xb8;
	[tilespmem:$0x16440] =	vst v63  }
0x26: {  	s26 =	simm.s32 $0x50  }
0x27: {  	[tilespmem:s19], [sflag:$0x2] =	stream.indirect.gather [hbm4b:s4+s17], $0x40, s26, s17, $0xb8;
	[tilespmem:$0x16440] =	vst v63  }
0x28: {  	_ =	swait.ge [sflag:s20], $0x1400  }
0x29: {  	[sflag:s20] =	ssyncset.done $0x0  }
0x2a: {  	s29 =	simm.s32 $0x4E20;
	[sflag:s20] =	ssyncadd.s32 $0xFFFFEC00  }
0x2b: {  	[spmem:s1] =	stream.indirect.scatter.add.f32 [tilespmem:s18], [sflag:$0x3], $0x40, s29, s17, $0xb8;
	[tilespmem:$0x16440] =	vst v63  }
0x2c: {  	_ =	swait.ge [sflag:s14], $0x1400  }
0x2d: {  	[sflag:s14] =	ssyncset.done $0x0  }
0x2e: {  	s30 =	simm.s32 $0xA0;
	[sflag:s14] =	ssyncadd.s32 $0xFFFFEC00  }
0x2f: {  	[tilespmem:s18], [sflag:$0x1] =	stream.indirect.gather [hbm4b:s4+s17], $0x40, s30, s17, $0xb8;
	[tilespmem:$0x16440] =	vst v63  }
0x30: {  	_ =	swait.ge [sflag:s21], $0x1400  }
0x31: {  	[sflag:s21] =	ssyncset.done $0x0  }
0x32: {  	s31 =	simm.s32 $0x4E70;
	[sflag:s21] =	ssyncadd.s32 $0xFFFFEC00  }
0x33: {  	[spmem:s1] =	stream.indirect.scatter.add.f32 [tilespmem:s19], [sflag:$0x3], $0x40, s31, s17, $0xb8;
	[tilespmem:$0x16440] =	vst v63  }
0x34: {  	_ =	swait.ge [sflag:s14], $0x1400  }
0x35: {  	s28 =	simm.s32 $0x500;
	s26 =	simm.s32 $0xA0;
	[sflag:s14] =	ssyncset.done $0x0  }
.LBB2_2:
0x36: {  	s29 =	sadd.s32 $0x50, s26  }
0x37: {  	[sflag:s14] =	ssyncadd.s32 $0xFFFFEC00;
	s30 =	smov.u32 s28;
	s31 =	sadd.s32 $0x280, s28  }
0x38: {  	[tilespmem:s19], [sflag:$0x2] =	stream.indirect.gather [hbm4b:s4+s17], $0x40, s29, s17, $0xb8;
	[tilespmem:$0x16440] =	vst v63  }
0x39: {  	p0 =	sne.s32 s28, $0x13380;
	_ =	swait.ge [sflag:s20], $0x1400  }
0x3a: {  	[sflag:s20] =	ssyncset.done $0x0  }
0x3b: {  	s28 =	sadd.s32 $0x4E20, s26;
	[sflag:s20] =	ssyncadd.s32 $0xFFFFEC00  }
0x3c: {  	[spmem:s1] =	stream.indirect.scatter.add.f32 [tilespmem:s18], [sflag:$0x3], $0x40, s28, s17, $0xb8;
	[tilespmem:$0x16440] =	vst v63  }
0x3d: {  	_ =	swait.ge [sflag:s14], $0x1400  }
0x3e: {  	[sflag:s14] =	ssyncset.done $0x0  }
0x3f: {  	s28 =	sadd.s32 $0xA0, s26;
	[sflag:s14] =	ssyncadd.s32 $0xFFFFEC00  }
0x40: {  	[tilespmem:s18], [sflag:$0x1] =	stream.indirect.gather [hbm4b:s4+s17], $0x40, s28, s17, $0xb8;
	[tilespmem:$0x16440] =	vst v63  }
0x41: {  	_ =	swait.ge [sflag:s21], $0x1400  }
.Ltmp0:
0x42: {  	[sflag:s21] =	ssyncset.done $0x0;
	(pc) =	sbr.rel @p0 .LBB2_2-.Ltmp0, $4  }
0x43: {  	s26 =	sadd.s32 $0x4E70, s26;
	[sflag:s21] =	ssyncadd.s32 $0xFFFFEC00  }
0x44: {  	[spmem:s1] =	stream.indirect.scatter.add.f32 [tilespmem:s19], [sflag:$0x3], $0x40, s26, s17, $0xb8;
	[tilespmem:$0x16440] =	vst v63  }
0x45: {  	_ =	swait.ge [sflag:s14], $0x1400  }
0x46: {  	s28 =	smov.u32 s31;
	s26 =	sshra.s32 s30, $0x2;
	[sflag:s14] =	ssyncset.done $0x0  }
0x47: {  	s28 =	sadd.s32 $0x50, s26;
	[sflag:s14] =	ssyncadd.s32 $0xFFFFEC00  }
0x48: {  	[tilespmem:s19], [sflag:$0x2] =	stream.indirect.gather [hbm4b:s4+s17], $0x40, s28, s17, $0xb8;
	[tilespmem:$0x16440] =	vst v63  }
0x49: {  	_ =	swait.ge [sflag:s20], $0x1400  }
0x4a: {  	[sflag:s20] =	ssyncset.done $0x0  }
0x4b: {  	s28 =	sadd.s32 $0x4E20, s26;
	[sflag:s20] =	ssyncadd.s32 $0xFFFFEC00  }
0x4c: {  	[spmem:s1] =	stream.indirect.scatter.add.f32 [tilespmem:s18], [sflag:$0x3], $0x40, s28, s17, $0xb8;
	[tilespmem:$0x16440] =	vst v63  }
0x4d: {  	_ =	swait.ge [sflag:s14], $0x1400  }
0x4e: {  	[sflag:s14] =	ssyncset.done $0x0  }
0x4f: {  	s28 =	sadd.s32 $0xA0, s26;
	[sflag:s14] =	ssyncadd.s32 $0xFFFFEC00  }
0x50: {  	[tilespmem:s18], [sflag:$0x1] =	stream.indirect.gather [hbm4b:s4+s17], $0x40, s28, s17, $0xb8;
	[tilespmem:$0x16440] =	vst v63  }
0x51: {  	_ =	swait.ge [sflag:s21], $0x1400  }
0x52: {  	[sflag:s21] =	ssyncset.done $0x0  }
0x53: {  	s29 =	sadd.s32 $0x4E70, s26;
	[sflag:s21] =	ssyncadd.s32 $0xFFFFEC00  }
0x54: {  	[spmem:s1] =	stream.indirect.scatter.add.f32 [tilespmem:s19], [sflag:$0x3], $0x40, s29, s17, $0xb8;
	[tilespmem:$0x16440] =	vst v63  }
0x55: {  	_ =	swait.ge [sflag:s14], $0x1400  }
0x56: {  	[sflag:s14] =	ssyncset.done $0x0  }
0x57: {  	[sflag:s14] =	ssyncadd.s32 $0xFFFFEC00  }
0x58: {  	[tilespmem:s19], [sflag:$0x2] =	stream.indirect.gather [hbm4b:s4+s17], $0x40, s22, s17, $0xb8;
	[tilespmem:$0x16440] =	vst v63  }
0x59: {  	_ =	swait.ge [sflag:s20], $0x1400  }
0x5a: {  	[sflag:s20] =	ssyncset.done $0x0  }
0x5b: {  	[sflag:s20] =	ssyncadd.s32 $0xFFFFEC00  }
0x5c: {  	[spmem:s1] =	stream.indirect.scatter.add.f32 [tilespmem:s18], [sflag:$0x3], $0x40, s23, s17, $0xb8;
	[tilespmem:$0x16440] =	vst v63  }
0x5d: {  	_ =	swait.ge [sflag:s14], $0x1400  }
0x5e: {  	[sflag:s14] =	ssyncset.done $0x0  }
0x5f: {  	[sflag:s14] =	ssyncadd.s32 $0xFFFFEC00  }
0x60: {  	_ =	swait.ge [sflag:s21], $0x1400  }
0x61: {  	[sflag:s21] =	ssyncset.done $0x0  }
0x62: {  	[sflag:s21] =	ssyncadd.s32 $0xFFFFEC00  }
0x63: {  	[spmem:s1] =	stream.indirect.scatter.add.f32 [tilespmem:s19], [sflag:$0x3], $0x40, s24, s17, $0xb8;
	[tilespmem:$0x16440] =	vst v63  }
0x64: {  	_ =	swait.ge [sflag:s14], $0x1400  }
0x65: {  	[sflag:s14] =	ssyncset.done $0x0  }
0x66: {  	[sflag:s14] =	ssyncadd.s32 $0xFFFFEC00  }
0x67: {  	[bflag:$0x0] =	sbarrier.arrive $0xFFFF  }
0x68: {  	[hbm:s8], [sflag:s15] =	dma.local [spmem:s16], $0x1400  }
0x69: {  	_ =	swait.ge [sflag:s14], $0x1400  }
0x6a: {  	[sflag:s14] =	ssyncset.done $0x0  }
0x6b: {  	[sflag:s14] =	ssyncadd.s32 $0xFFFFEC00  }
0x6c: {  	[spmem:s16], [sflag:s15] =	dma.local [hbm:s9], $0x1400  }
0x6d: {  	_ =	swait.ge [sflag:s14], $0x1400  }
0x6e: {  	[sflag:s14] =	ssyncset.done $0x0  }
0x6f: {  	s30 =	simm.s32 $0x0;
	[sflag:s14] =	ssyncadd.s32 $0xFFFFEC00  }
0x70: {  	[tilespmem:s30], [sflag:$0x3] =	stream.linear.gather [hbm4b:s10+s30], $0x4E20, $0x38;
	[tilespmem:$0x16440] =	vst v63  }
0x71: {  	_ =	swait.ge [sflag:s14], $0x4E20  }
0x72: {  	[sflag:s14] =	ssyncset.done $0x0  }
0x73: {  	[sflag:s14] =	ssyncadd.s32 $0xFFFFB1E0  }
0x74: {  	[bflag:$0x0] =	sbarrier.arrive $0xFFFF  }
0x75: {  	[tilespmem:s18], [sflag:$0x1] =	stream.indirect.gather [hbm4b:s4+s17], $0x40, s30, s17, $0xb8;
	[tilespmem:$0x16440] =	vst v63  }
0x76: {  	s31 =	simm.s32 $0x50  }
0x77: {  	[tilespmem:s19], [sflag:$0x2] =	stream.indirect.gather [hbm4b:s4+s17], $0x40, s31, s17, $0xb8;
	[tilespmem:$0x16440] =	vst v63  }
0x78: {  	_ =	swait.ge [sflag:s20], $0x1400  }
0x79: {  	[sflag:s20] =	ssyncset.done $0x0  }
0x7a: {  	s29 =	simm.s32 $0x4E20;
	[sflag:s20] =	ssyncadd.s32 $0xFFFFEC00  }
0x7b: {  	[spmem:s1] =	stream.indirect.scatter.add.f32 [tilespmem:s18], [sflag:$0x3], $0x40, s29, s17, $0xb8;
	[tilespmem:$0x16440] =	vst v63  }
0x7c: {  	_ =	swait.ge [sflag:s14], $0x1400  }
0x7d: {  	[sflag:s14] =	ssyncset.done $0x0  }
0x7e: {  	s30 =	simm.s32 $0xA0;
	[sflag:s14] =	ssyncadd.s32 $0xFFFFEC00  }
0x7f: {  	[tilespmem:s18], [sflag:$0x1] =	stream.indirect.gather [hbm4b:s4+s17], $0x40, s30, s17, $0xb8;
	[tilespmem:$0x16440] =	vst v63  }
0x80: {  	_ =	swait.ge [sflag:s21], $0x1400  }
0x81: {  	[sflag:s21] =	ssyncset.done $0x0  }
0x82: {  	s31 =	simm.s32 $0x4E70;
	[sflag:s21] =	ssyncadd.s32 $0xFFFFEC00  }
0x83: {  	[spmem:s1] =	stream.indirect.scatter.add.f32 [tilespmem:s19], [sflag:$0x3], $0x40, s31, s17, $0xb8;
	[tilespmem:$0x16440] =	vst v63  }
0x84: {  	_ =	swait.ge [sflag:s14], $0x1400  }
0x85: {  	s26 =	simm.s32 $0xA0;
	s28 =	simm.s32 $0x500;
	[sflag:s14] =	ssyncset.done $0x0  }
.LBB2_4:
0x86: {  	s29 =	sadd.s32 $0x50, s26  }
0x87: {  	[sflag:s14] =	ssyncadd.s32 $0xFFFFEC00;
	s30 =	smov.u32 s28;
	s31 =	sadd.s32 $0x280, s28  }
0x88: {  	[tilespmem:s19], [sflag:$0x2] =	stream.indirect.gather [hbm4b:s4+s17], $0x40, s29, s17, $0xb8;
	[tilespmem:$0x16440] =	vst v63  }
0x89: {  	p0 =	sne.s32 s28, $0x13380;
	_ =	swait.ge [sflag:s20], $0x1400  }
0x8a: {  	[sflag:s20] =	ssyncset.done $0x0  }
0x8b: {  	s28 =	sadd.s32 $0x4E20, s26;
	[sflag:s20] =	ssyncadd.s32 $0xFFFFEC00  }
0x8c: {  	[spmem:s1] =	stream.indirect.scatter.add.f32 [tilespmem:s18], [sflag:$0x3], $0x40, s28, s17, $0xb8;
	[tilespmem:$0x16440] =	vst v63  }
0x8d: {  	_ =	swait.ge [sflag:s14], $0x1400  }
0x8e: {  	[sflag:s14] =	ssyncset.done $0x0  }
0x8f: {  	s28 =	sadd.s32 $0xA0, s26;
	[sflag:s14] =	ssyncadd.s32 $0xFFFFEC00  }
0x90: {  	[tilespmem:s18], [sflag:$0x1] =	stream.indirect.gather [hbm4b:s4+s17], $0x40, s28, s17, $0xb8;
	[tilespmem:$0x16440] =	vst v63  }
0x91: {  	_ =	swait.ge [sflag:s21], $0x1400  }
.Ltmp1:
0x92: {  	[sflag:s21] =	ssyncset.done $0x0;
	(pc) =	sbr.rel @p0 .LBB2_4-.Ltmp1, $4  }
0x93: {  	s26 =	sadd.s32 $0x4E70, s26;
	[sflag:s21] =	ssyncadd.s32 $0xFFFFEC00  }
0x94: {  	[spmem:s1] =	stream.indirect.scatter.add.f32 [tilespmem:s19], [sflag:$0x3], $0x40, s26, s17, $0xb8;
	[tilespmem:$0x16440] =	vst v63  }
0x95: {  	_ =	swait.ge [sflag:s14], $0x1400  }
0x96: {  	s28 =	smov.u32 s31;
	s26 =	sshra.s32 s30, $0x2;
	[sflag:s14] =	ssyncset.done $0x0  }
0x97: {  	s28 =	sadd.s32 $0x50, s26;
	[sflag:s14] =	ssyncadd.s32 $0xFFFFEC00  }
0x98: {  	[tilespmem:s19], [sflag:$0x2] =	stream.indirect.gather [hbm4b:s4+s17], $0x40, s28, s17, $0xb8;
	[tilespmem:$0x16440] =	vst v63  }
0x99: {  	_ =	swait.ge [sflag:s20], $0x1400  }
0x9a: {  	[sflag:s20] =	ssyncset.done $0x0  }
0x9b: {  	s29 =	sadd.s32 $0x4E20, s26;
	[sflag:s20] =	ssyncadd.s32 $0xFFFFEC00  }
0x9c: {  	[spmem:s1] =	stream.indirect.scatter.add.f32 [tilespmem:s18], [sflag:$0x3], $0x40, s29, s17, $0xb8;
	[tilespmem:$0x16440] =	vst v63  }
0x9d: {  	_ =	swait.ge [sflag:s14], $0x1400  }
0x9e: {  	[sflag:s14] =	ssyncset.done $0x0  }
0x9f: {  	s30 =	sadd.s32 $0xA0, s26;
	[sflag:s14] =	ssyncadd.s32 $0xFFFFEC00  }
0xa0: {  	[tilespmem:s18], [sflag:$0x1] =	stream.indirect.gather [hbm4b:s4+s17], $0x40, s30, s17, $0xb8;
	[tilespmem:$0x16440] =	vst v63  }
0xa1: {  	_ =	swait.ge [sflag:s21], $0x1400  }
0xa2: {  	[sflag:s21] =	ssyncset.done $0x0  }
0xa3: {  	s31 =	sadd.s32 $0x4E70, s26;
	[sflag:s21] =	ssyncadd.s32 $0xFFFFEC00  }
0xa4: {  	[spmem:s1] =	stream.indirect.scatter.add.f32 [tilespmem:s19], [sflag:$0x3], $0x40, s31, s17, $0xb8;
	[tilespmem:$0x16440] =	vst v63  }
0xa5: {  	_ =	swait.ge [sflag:s14], $0x1400  }
0xa6: {  	[sflag:s14] =	ssyncset.done $0x0  }
0xa7: {  	[sflag:s14] =	ssyncadd.s32 $0xFFFFEC00  }
0xa8: {  	[tilespmem:s19], [sflag:$0x2] =	stream.indirect.gather [hbm4b:s4+s17], $0x40, s22, s17, $0xb8;
	[tilespmem:$0x16440] =	vst v63  }
0xa9: {  	_ =	swait.ge [sflag:s20], $0x1400  }
0xaa: {  	[sflag:s20] =	ssyncset.done $0x0  }
0xab: {  	[sflag:s20] =	ssyncadd.s32 $0xFFFFEC00  }
0xac: {  	[spmem:s1] =	stream.indirect.scatter.add.f32 [tilespmem:s18], [sflag:$0x3], $0x40, s23, s17, $0xb8;
	[tilespmem:$0x16440] =	vst v63  }
0xad: {  	_ =	swait.ge [sflag:s14], $0x1400  }
0xae: {  	[sflag:s14] =	ssyncset.done $0x0  }
0xaf: {  	[sflag:s14] =	ssyncadd.s32 $0xFFFFEC00  }
0xb0: {  	_ =	swait.ge [sflag:s21], $0x1400  }
0xb1: {  	[sflag:s21] =	ssyncset.done $0x0  }
0xb2: {  	[sflag:s21] =	ssyncadd.s32 $0xFFFFEC00  }
0xb3: {  	[spmem:s1] =	stream.indirect.scatter.add.f32 [tilespmem:s19], [sflag:$0x3], $0x40, s24, s17, $0xb8;
	[tilespmem:$0x16440] =	vst v63  }
0xb4: {  	_ =	swait.ge [sflag:s14], $0x1400  }
0xb5: {  	s25 =	sadd.s32 $0x1, s25;
	[sflag:s14] =	ssyncset.done $0x0  }
0xb6: {  	p0 =	sne.s32 s25, s12;
	[sflag:s14] =	ssyncadd.s32 $0xFFFFEC00  }
.Ltmp2:
0xb7: {  	[bflag:$0x0] =	sbarrier.arrive $0xFFFF;
	(pc) =	sbr.rel @p0 .LBB2_1-.Ltmp2, $4  }
0xb8: {  	[hbm:s11], [sflag:s15] =	dma.local [spmem:s16], $0x1400  }
0xb9: {  	_ =	swait.ge [sflag:s14], $0x1400  }
0xba: {  	[sflag:s14] =	ssyncset.done $0x0  }
0xbb: {  	[sflag:s14] =	ssyncadd.s32 $0xFFFFEC00  }
0xbc: {  	_ =	sfence.sel $0x180000  }
0xbd: {  	[bflag:$0x0] =	sbarrier.arrive $0xFFFF  }
0xbe: {  	p0 =	sne.s32 s2, $0x0;
	_ =	strace $0x9000004A  }
0xbf: {  	s0 =	sadd.s32 @!p0 $0x100000, s0;
	[bflag:$0x2] =	sbarrier.arrive $0xFFFF  }
0xc0: {  	[sflag:s0] =	ssyncadd.tile.s32 @!p0 $0x1;
	_ =	shalt  }
.Lfunc_end2:
_tile_overlayer_lowered:
.L_overlay_start_2:
0xc1: {  	(tag) =	ssettag $0x2  }
0xc2: {  	s0 =	rddreg [dreg:$0x0];
	s2 =	stileid.u32  }
0xc3: {  	s1 =	rddreg [dreg:$0x1];
	p0 =	sne.s32 s2, $0x0  }
0xc4: {  	s3 =	rddreg [dreg:$0x2];
	[bflag:$0x3] =	sbarrier.arrive $0xFFFF;
	s2 =	simm.s32 @!p0 $0x1C03  }
0xc5: {  	[timem:s3], [sflag:s2] =	dma.local @!p0 [hbm:s0], s1  }
0xc6: {  	s0 =	simm.s32 @!p0 $0x3  }
0xc7: {  	_ =	swait.ge @!p0 [sflag:s0], s1  }
0xc8: {  	s1 =	ssub.s32 @!p0 $0x0, s1;
	[sflag:s0] =	ssyncset.done @!p0 $0x0  }
0xc9: {  	[sflag:s0] =	ssyncadd.s32 @!p0 s1  }
0xca: {  	[bflag:$0x3] =	sbarrier.arrive $0xFFFF  }
0xcb: {  	_ =	shalt  }

// kernel: kernel.14.cloned.1.call-start
scs
__scs_entry_jumppad:
0x0: {  	(pc) =	sbr.rel $0x88, $3  }
0x1: {  	(tag) =	ssettag $0x0;
	lr =	simm.s32 $0x1  }
0x2: {  	[smem:$0x3F90] =	sst lr;
	_ =	strace $0xD0000000  }
0x3: {  	_ = 	snop  }
0x4: {  	_ = 	snop  }
0x5: {  	_ = 	snop  }
0x6: {  	_ = 	snop  }
0x7: {  	_ = 	snop  }
__scs_overlays_trampoline_lowered:
0x8: {  	[smem:$0x3F9F] =	sst s0  }
0x9: {  	[smem:$0x3FA0] =	sst s1  }
0xa: {  	[smem:$0x3FA1] =	sst s2  }
0xb: {  	[smem:$0x3FA2] =	sst s3  }
0xc: {  	[smem:$0x3FA3] =	sst s4  }
0xd: {  	[smem:$0x3FA4] =	sst s5  }
0xe: {  	[smem:$0x3FA5] =	sst s6  }
0xf: {  	[smem:$0x3FA6] =	sst s7  }
0x10: {  	[smem:$0x3FA7] =	sst s8  }
0x11: {  	[smem:$0x3FA8] =	sst s9;
	s0 =	simm.s32 @!p0 $0x0  }
0x12: {  	s1 =	sld [smem:$0x3F8E];
	s0 =	simm.s32 @p0 $0x1  }
0x13: {  	[smem:$0x3FA9] =	sst s0;
	s0 =	simm.s32 @!p1 $0x0  }
0x14: {  	s2 =	sld [smem:$0x3F8D];
	s0 =	simm.s32 @p1 $0x1  }
0x15: {  	[smem:$0x3FAA] =	sst s0;
	s0 =	simm.s32 @!p2 $0x0  }
0x16: {  	s3 =	sld [smem:$0x3FDB];
	s0 =	simm.s32 @p2 $0x1  }
0x17: {  	s4 =	simm.s32 $0x1BF5;
	[smem:$0x3FAC] =	sst s0  }
0x18: {  	s0 =	sld [smem:$0x3F8F];
	_ =	swait.ge [sflag:s4], $0x0  }
0x19: {  	s7 =	sld [smem:$0x3F90]  }
0x1a: {  	s8 =	sadd.s32 $0xFFFFE003, lr  }
0x1b: {  	s9 =	sadd.s32 $0xFFFFFEF7, lr;
	s5 =	simm.s32 $0xFFFFFFFF;
	p2 =	slt.u32 s8, $0xFFFFF086  }
0x1c: {  	p1 =	slt.u32 s9, $0xF7A;
	s5 =	simm.s32 @!p2 $0x0  }
0x1d: {  	s5 =	simm.s32 @p1 $0x1;
	p0 =	seq.s32 s7, s2  }
0x1e: {  	s7 =	smul.u32 @!p0 $0xF7A, s2;
	p2 =	seq.s32 @!p0 s5, $0x0  }
0x1f: {  	s9 =	smul.u32 $0xF7A, s1;
	s8 =	simm.s32 @!p0 $0x1BF5;
	p2 =	por !p2, p0  }
0x20: {  	[sflag:s8] =	ssyncset.s32 @!p0 $0xFFFFF086;
	s6 =	sadd.s32 @!p0 s3, s7;
	s7 =	simm.s32 @!p0 $0x108  }
0x21: {  	s3 =	sadd.s32 s3, s9;
	s6 =	sadd.s32 @!p0 $0x88, s6;
	s7 =	simm.s32 @p2 $0x1082  }
0x22: {  	[simem:s7], [sflag:s8] =	dma.local @!p0 [hbm:s6], $0xF7A  }
0x23: {  	s9 =	sor.u32 $0xD0000000, s2;
	s6 =	simm.s32 $0x108;
	_ =	swait.ge @!p0 [sflag:s8], $0x0  }
0x24: {  	s3 =	sadd.s32 $0x88, s3;
	s6 =	simm.s32 @!p1 $0x1082;
	[sflag:s4] =	ssyncset.s32 $0xFFFFF086  }
0x25: {  	[simem:s6], [sflag:s4] =	dma.local [hbm:s3], $0xF7A  }
0x26: {  	[smem:$0x3F90] =	sst s1;
	(tag) =	ssettag s2;
	_ =	strace s9  }
0x27: {  	s1 =	sld [smem:$0x3FA0]  }
0x28: {  	s2 =	sld [smem:$0x3FA1]  }
0x29: {  	s4 =	sld [smem:$0x3FA3]  }
0x2a: {  	p0 =	seq.s32 s5, $0x0;
	s5 =	sld [smem:$0x3FA4]  }
0x2b: {  	s6 =	sld [smem:$0x3FA5]  }
0x2c: {  	s7 =	sld [smem:$0x3FA6]  }
0x2d: {  	s3 =	simm.s32 $0x108;
	s8 =	sld [smem:$0x3FA7]  }
0x2e: {  	s3 =	simm.s32 @!p0 $0x1082;
	s9 =	sld [smem:$0x3FA8]  }
0x2f: {  	lr =	sadd.s32 s0, s3;
	s0 =	sld [smem:$0x3F9F]  }
0x30: {  	s3 =	sld [smem:$0x3FA2]  }
0x31: {  	[smem:$0x3FAB] =	sst s10  }
0x32: {  	s10 =	sld [smem:$0x3FA9];
	_ =	sdelay $0x3  }
0x33: {  	p0 =	seq.s32 s10, $0x1;
	s10 =	sld [smem:$0x3FAB];
	_ =	sdelay $0x3  }
0x34: {  	[smem:$0x3FAB] =	sst s10  }
0x35: {  	s10 =	sld [smem:$0x3FAA];
	_ =	sdelay $0x3  }
0x36: {  	p1 =	seq.s32 s10, $0x1;
	s10 =	sld [smem:$0x3FAB];
	_ =	sdelay $0x3  }
0x37: {  	[smem:$0x3FAB] =	sst s10  }
0x38: {  	s10 =	sld [smem:$0x3FAC]  }
0x39: {  	_ = 	snop;
	(pc) =	sbr.ind lr, $3  }
0x3a: {  	_ = 	snop  }
0x3b: {  	_ = 	snop  }
0x3c: {  	p2 =	seq.s32 s10, $0x1;
	s10 =	sld [smem:$0x3FAB]  }
0x3d: {  	_ =	shalt  }
0x3e: {  	_ =	shalt  }
0x3f: {  	_ =	shalt  }
0x40: {  	_ =	shalt  }
0x41: {  	_ =	shalt  }
0x42: {  	_ =	shalt  }
0x43: {  	_ =	shalt  }
0x44: {  	_ =	shalt  }
0x45: {  	_ =	shalt  }
0x46: {  	_ =	shalt  }
0x47: {  	_ =	shalt  }
0x48: {  	_ =	shalt  }
0x49: {  	_ =	shalt  }
0x4a: {  	_ =	shalt  }
0x4b: {  	_ =	shalt  }
0x4c: {  	_ =	shalt  }
0x4d: {  	_ =	shalt  }
0x4e: {  	_ =	shalt  }
0x4f: {  	_ =	shalt  }
0x50: {  	_ =	shalt  }
0x51: {  	_ =	shalt  }
0x52: {  	_ =	shalt  }
0x53: {  	_ =	shalt  }
0x54: {  	_ =	shalt  }
0x55: {  	_ =	shalt  }
0x56: {  	_ =	shalt  }
0x57: {  	_ =	shalt  }
0x58: {  	_ =	shalt  }
0x59: {  	_ =	shalt  }
0x5a: {  	_ =	shalt  }
0x5b: {  	_ =	shalt  }
0x5c: {  	_ =	shalt  }
0x5d: {  	_ =	shalt  }
0x5e: {  	_ =	shalt  }
0x5f: {  	_ =	shalt  }
0x60: {  	_ =	shalt  }
0x61: {  	_ =	shalt  }
0x62: {  	_ =	shalt  }
0x63: {  	_ =	shalt  }
0x64: {  	_ =	shalt  }
0x65: {  	_ =	shalt  }
0x66: {  	_ =	shalt  }
0x67: {  	_ =	shalt  }
0x68: {  	_ =	shalt  }
0x69: {  	_ =	shalt  }
0x6a: {  	_ =	shalt  }
0x6b: {  	_ =	shalt  }
0x6c: {  	_ =	shalt  }
0x6d: {  	_ =	shalt  }
0x6e: {  	_ =	shalt  }
0x6f: {  	_ =	shalt  }
0x70: {  	_ =	shalt  }
0x71: {  	_ =	shalt  }
0x72: {  	_ =	shalt  }
0x73: {  	_ =	shalt  }
0x74: {  	_ =	shalt  }
0x75: {  	_ =	shalt  }
0x76: {  	_ =	shalt  }
0x77: {  	_ =	shalt  }
0x78: {  	_ =	shalt  }
0x79: {  	_ =	shalt  }
0x7a: {  	_ =	shalt  }
0x7b: {  	_ =	shalt  }
0x7c: {  	_ =	shalt  }
0x7d: {  	_ =	shalt  }
0x7e: {  	_ =	shalt  }
0x7f: {  	_ =	shalt  }
0x80: {  	_ =	shalt  }
0x81: {  	_ =	shalt  }
0x82: {  	_ =	shalt  }
0x83: {  	_ =	shalt  }
0x84: {  	_ =	shalt  }
0x85: {  	_ =	shalt  }
0x86: {  	_ =	shalt  }
0x87: {  	_ =	shalt  }
.Lfunc_end0:
.L_simem_size_0:
called_computation.2_lowered:
.L_overlay_start_0:
0x88: {  	s2 =	sld [smem:$0x3FD9]  }
0x89: {  	s3 =	sld [smem:$0x3FFE];
	_ =	sdelay $0x1  }
0x8a: {  	s1 =	srdreg.scid  }
0x8b: {  	s0 =	sand.u32 $0x1, s1  }
0x8c: {  	s17 =	sshll.u32 s0, $0xA;
	s2 =	sadd.s32 s3, s2  }
0x8d: {  	s2 =	sadd.s32 s2, s17  }
0x8e: {  	[smem:$0x3FB7] =	sst s2  }
0x8f: {  	_ = 	snop  }
0x90: {  	s2 =	sld [smem:$0x3FD0];
	(tm) =	ssettm $0x1  }
0x91: {  	s18 =	sld [smem:$0x3FFB];
	_ =	sdelay $0x3  }
0x92: {  	_ =	strace s18  }
0x93: {  	s3 =	sld [smem:$0x3FFC];
	_ =	sdelay $0x3  }
0x94: {  	_ =	strace s3  }
0x95: {  	s3 =	sld [smem:$0x3FFD];
	_ =	sdelay $0x3  }
0x96: {  	_ =	strace s3  }
0x97: {  	_ =	strace $0x8FFFFFFF  }
0x98: {  	s19 =	sld [smem:$0x3FDB];
	_ =	sdelay $0x1  }
0x99: {  	s4 =	simm.s32 $_scs_section_size  }
0x9a: {  	s5 =	simm.s32 $_size__tile_overlayer_lowered;
	s6 =	simm.s32 $_tile_overlayer_lowered  }
0x9b: {  	s22 =	simm.s32 $0x1BFF;
	s21 =	sshll.u32 s6, $0x1;
	s3 =	sadd.s32 s4, s19  }
0x9c: {  	s7 =	simm.s32 $0x0;
	s20 =	sshll.u32 s5, $0x1;
	s5 =	sadd.s32 s21, s3  }
0x9d: {  	[timem:s7], [sflag:s22] =	dma.local [hbm:s5], s20  }
0x9e: {  	_ =	swait.ge [sflag:s22], s20  }
0x9f: {  	s4 =	ssub.s32 $0x0, s20;
	[sflag:s22] =	ssyncset.done $0x0  }
0xa0: {  	[sflag:s22] =	ssyncadd.s32 s4;
	_ =	sdelay $0x1  }
0xa1: {  	s23 =	simm.s32 $0x1B8B  }
0xa2: {  	_ =	swait.ge [sflag:s23], $0x1  }
0xa3: {  	[sflag:s23] =	ssyncset.done $0x0  }
0xa4: {  	s25 =	simm.s32 $0x1B8E;
	s24 =	sld [smem:$0x3FFE];
	[sflag:s23] =	ssyncadd.s32 $0xFFFFFFFF  }
0xa5: {  	s26 =	simm.s32 $execute0_lowered;
	[smem:$0x3FD2] =	sst s25  }
0xa6: {  	s5 =	sshll.u32 s26, $0x1;
	_ =	strace $0x8000004C;
	[dreg:$0x1] =	wrdreg $0xFFFFFFFF  }
0xa7: {  	s28 =	simm.s32 $_size_execute0_lowered;
	s3 =	sadd.s32 s3, s5;
	[dreg:$0x0] =	wrdreg $0x0  }
0xa8: {  	s5 =	sshll.u32 s28, $0x1;
	[dreg:$0x2] =	wrdreg s3  }
0xa9: {  	[dreg:$0x3] =	wrdreg s5  }
0xaa: {  	[dreg:$0x4] =	wrdreg $0xC0  }
0xab: {  	_ =	task [dreg:s7], $0x5FFFF  }
0xac: {  	[dreg:$0x1] =	wrdreg $0xFFFFFFFF  }
0xad: {  	[dreg:$0x0] =	wrdreg $0x60  }
0xae: {  	[dreg:$0x2] =	wrdreg s24  }
0xaf: {  	[dreg:$0x3] =	wrdreg s2  }
0xb0: {  	[dreg:$0x4] =	wrdreg $0xC4400  }
0xb1: {  	[dreg:$0x5] =	wrdreg $0x9  }
0xb2: {  	_ =	task.clear_ibuf [dreg:s7], $0x6FFFF;
	_ =	strace $0x9000004C  }
0xb3: {  	s29 =	simm.s32 $0x9;
	_ =	strace $0x8000004E  }
0xb4: {  	_ =	swait.ge [sflag:s29], $0x1  }
0xb5: {  	[sflag:s29] =	ssyncadd.s32 $0xFFFFFFFF  }
0xb6: {  	_ =	strace $0x9000004E  }
0xb7: {  	_ =	sfence  }
0xb8: {  	s30 =	sld [smem:$0x0];
	_ =	sdelay $0x2  }
0xb9: {  	s31 =	sshll.u32 s1, $0xD;
	s1 =	sshrl.u32 s1, $0x2  }
0xba: {  	s3 =	sand.u32 $0x4000, s31;
	s1 =	sadd.s32 s1, s30  }
0xbb: {  	s0 =	sor.u32 s3, s0;
	s1 =	sshll.u32 s1, $0x11  }
0xbc: {  	s0 =	sor.u32 s1, s0  }
0xbd: {  	s0 =	sadd.s32 $0x8F2B, s0  }
0xbe: {  	[sflag:s0] =	ssyncadd.remote.s32 $0x1  }
0xbf: {  	_ =	sfence.sel $0xFFFF  }
0xc0: {  	[dreg:$0x0] =	wrdreg $0xFFFFFFFF;
	(pc) =	sbr.abs _section_cstart, $3  }
0xc1: {  	[dreg:$0x1] =	wrdreg $0xFFFFFFFF  }
0xc2: {  	_ =	task.clear_ibuf [dreg:s7], $0x2FFFF;
	_ =	strace $0x9FFFFFFF  }
0xc3: {  	(tm) =	ssettm $0x7FFFFFFF  }
tec
execute0_lowered:
.L_overlay_start_1:
0x0: {  	(tag) =	ssettag $0x1  }
0x1: {  	s5 =	rddreg [dreg:$0x0]  }
0x2: {  	s6 =	rddreg [dreg:$0x1]  }
0x3: {  	s1 =	rddreg [dreg:$0x2]  }
0x4: {  	s0 =	rddreg [dreg:$0x3];
	s2 =	stileid.u32  }
0x5: {  	s3 =	simm.s32 $0x0;
	s7 =	srdreg.scid;
	s9 =	smul.u32 $0x280, s2  }
0x6: {  	s21 =	simm.s32 $0x2;
	s22 =	simm.s32 $0x4DD0;
	s11 =	smul.u32 $0x4E20, s2  }
0x7: {  	s23 =	simm.s32 $0x9BA0;
	s7 =	sand.u32 $0x1, s7;
	s13 =	smul.u32 $0xA000, s2  }
0x8: {  	s24 =	simm.s32 $0x9BF0;
	[smem:$0x7FF] =	sst s3;
	s15 =	smul.u32 $0x5000, s7  }
0x9: {  	s4 =	sadd.s32 $0xDA400, s5;
	s10 =	sadd.s32 $0xB3200, s5;
	s26 =	smul.u32 $0x9C400, s7  }
0xa: {  	s25 =	ssub.s32 $0x2, s7;
	s29 =	smul.u32 $0x140000, s7;
	s7 =	sshllo.u32 s7, $0x1  }
0xb: {  	s12 =	sadd.s32 $0x3200, s5;
	s31 =	sshll.u32 s2, $0x6;
	s30 =	smul.u32 $0x2800, s7  }
0xc: {  	_ =	strace $0x8000004D;
	s8 =	sshrl.u32 s25, $0x1;
	s18 =	smul.u32 $0x4E200, s7  }
0xd: {  	s14 =	sshrl.u32 s11, $0x3;
	s17 =	sadd.s32 s13, s1;
	s20 =	smul.u32 $0xA0000, s7  }
0xe: {  	s16 =	ssub.s32 s25, s8;
	s5 =	sadd.s32 s6, s14;
	s28 =	sadd.s32 s9, s15  }
0xf: {  	s6 =	sadd.s32 s11, s26;
	s14 =	sadd.s32 s13, s29;
	s15 =	sor.u32 $0x1C03, s31  }
0x10: {  	s25 =	simm.s32 $0x0;
	s8 =	sshll.u32 s28, $0x3;
	s19 =	sshrl.u32 s6, $0x3  }
0x11: {  	s14 =	sshrl.u32 s14, $0x3;
	s9 =	sadd.s32 s9, s30;
	s11 =	sadd.s32 s11, s18  }
0x12: {  	s13 =	sadd.s32 s13, s20;
	s18 =	simm.s32 $0x9C40;
	s20 =	simm.s32 $0x1  }
0x13: {  	s6 =	sadd.s32 s4, s8;
	s7 =	sadd.s32 s10, s19;
	s8 =	sadd.s32 s12, s14  }
0x14: {  	s9 =	sshll.u32 s9, $0x3;
	s11 =	sshrl.u32 s11, $0x3;
	s13 =	sshrl.u32 s13, $0x3  }
0x15: {  	s14 =	simm.s32 $0x3;
	s19 =	simm.s32 $0xB040;
	s9 =	sadd.s32 s4, s9  }
0x16: {  	s10 =	sadd.s32 s10, s11;
	s11 =	sadd.s32 s12, s13;
	s12 =	smax.u32 s16, $0x1  }
0x17: {  	s13 =	simm.s32 $0x4E20;
	s16 =	sshrl.u32 s17, $0x3;
	s17 =	simm.s32 $0x50  }
.LBB2_1:
0x18: {  	[tilespmem:s13], [sflag:$0x3] =	stream.linear.gather [hbm4b:s5+s3], $0x4E20, $0x38;
	[tilespmem:$0x16440] =	vst v63  }
0x19: {  	_ =	swait.ge [sflag:s14], $0x4E20  }
0x1a: {  	[sflag:s14] =	ssyncset.done $0x0  }
0x1b: {  	[sflag:s14] =	ssyncadd.s32 $0xFFFFB1E0  }
0x1c: {  	[spmem:s16], [sflag:s15] =	dma.local [hbm:s6], $0x1400  }
0x1d: {  	_ =	swait.ge [sflag:s14], $0x1400  }
0x1e: {  	[sflag:s14] =	ssyncset.done $0x0  }
0x1f: {  	[sflag:s14] =	ssyncadd.s32 $0xFFFFEC00  }
0x20: {  	[tilespmem:s3], [sflag:$0x3] =	stream.linear.gather [hbm4b:s7+s3], $0x4E20, $0x38;
	[tilespmem:$0x16440] =	vst v63  }
0x21: {  	_ =	swait.ge [sflag:s14], $0x4E20  }
0x22: {  	[sflag:s14] =	ssyncset.done $0x0  }
0x23: {  	[sflag:s14] =	ssyncadd.s32 $0xFFFFB1E0  }
0x24: {  	[bflag:$0x0] =	sbarrier.arrive $0xFFFF  }
0x25: {  	[tilespmem:s18], [sflag:$0x1] =	stream.indirect.gather [hbm4b:s4+s17], $0x40, s3, s17, $0xb8;
	[tilespmem:$0x16440] =	vst v63  }
0x26: {  	s26 =	simm.s32 $0x50  }
0x27: {  	[tilespmem:s19], [sflag:$0x2] =	stream.indirect.gather [hbm4b:s4+s17], $0x40, s26, s17, $0xb8;
	[tilespmem:$0x16440] =	vst v63  }
0x28: {  	_ =	swait.ge [sflag:s20], $0x1400  }
0x29: {  	[sflag:s20] =	ssyncset.done $0x0  }
0x2a: {  	s29 =	simm.s32 $0x4E20;
	[sflag:s20] =	ssyncadd.s32 $0xFFFFEC00  }
0x2b: {  	[spmem:s1] =	stream.indirect.scatter.add.f32 [tilespmem:s18], [sflag:$0x3], $0x40, s29, s17, $0xb8;
	[tilespmem:$0x16440] =	vst v63  }
0x2c: {  	_ =	swait.ge [sflag:s14], $0x1400  }
0x2d: {  	[sflag:s14] =	ssyncset.done $0x0  }
0x2e: {  	s30 =	simm.s32 $0xA0;
	[sflag:s14] =	ssyncadd.s32 $0xFFFFEC00  }
0x2f: {  	[tilespmem:s18], [sflag:$0x1] =	stream.indirect.gather [hbm4b:s4+s17], $0x40, s30, s17, $0xb8;
	[tilespmem:$0x16440] =	vst v63  }
0x30: {  	_ =	swait.ge [sflag:s21], $0x1400  }
0x31: {  	[sflag:s21] =	ssyncset.done $0x0  }
0x32: {  	s31 =	simm.s32 $0x4E70;
	[sflag:s21] =	ssyncadd.s32 $0xFFFFEC00  }
0x33: {  	[spmem:s1] =	stream.indirect.scatter.add.f32 [tilespmem:s19], [sflag:$0x3], $0x40, s31, s17, $0xb8;
	[tilespmem:$0x16440] =	vst v63  }
0x34: {  	_ =	swait.ge [sflag:s14], $0x1400  }
0x35: {  	s28 =	simm.s32 $0x500;
	s26 =	simm.s32 $0xA0;
	[sflag:s14] =	ssyncset.done $0x0  }
.LBB2_2:
0x36: {  	s29 =	sadd.s32 $0x50, s26  }
0x37: {  	[sflag:s14] =	ssyncadd.s32 $0xFFFFEC00;
	s30 =	smov.u32 s28;
	s31 =	sadd.s32 $0x280, s28  }
0x38: {  	[tilespmem:s19], [sflag:$0x2] =	stream.indirect.gather [hbm4b:s4+s17], $0x40, s29, s17, $0xb8;
	[tilespmem:$0x16440] =	vst v63  }
0x39: {  	p0 =	sne.s32 s28, $0x13380;
	_ =	swait.ge [sflag:s20], $0x1400  }
0x3a: {  	[sflag:s20] =	ssyncset.done $0x0  }
0x3b: {  	s28 =	sadd.s32 $0x4E20, s26;
	[sflag:s20] =	ssyncadd.s32 $0xFFFFEC00  }
0x3c: {  	[spmem:s1] =	stream.indirect.scatter.add.f32 [tilespmem:s18], [sflag:$0x3], $0x40, s28, s17, $0xb8;
	[tilespmem:$0x16440] =	vst v63  }
0x3d: {  	_ =	swait.ge [sflag:s14], $0x1400  }
0x3e: {  	[sflag:s14] =	ssyncset.done $0x0  }
0x3f: {  	s28 =	sadd.s32 $0xA0, s26;
	[sflag:s14] =	ssyncadd.s32 $0xFFFFEC00  }
0x40: {  	[tilespmem:s18], [sflag:$0x1] =	stream.indirect.gather [hbm4b:s4+s17], $0x40, s28, s17, $0xb8;
	[tilespmem:$0x16440] =	vst v63  }
0x41: {  	_ =	swait.ge [sflag:s21], $0x1400  }
.Ltmp0:
0x42: {  	[sflag:s21] =	ssyncset.done $0x0;
	(pc) =	sbr.rel @p0 .LBB2_2-.Ltmp0, $4  }
0x43: {  	s26 =	sadd.s32 $0x4E70, s26;
	[sflag:s21] =	ssyncadd.s32 $0xFFFFEC00  }
0x44: {  	[spmem:s1] =	stream.indirect.scatter.add.f32 [tilespmem:s19], [sflag:$0x3], $0x40, s26, s17, $0xb8;
	[tilespmem:$0x16440] =	vst v63  }
0x45: {  	_ =	swait.ge [sflag:s14], $0x1400  }
0x46: {  	s28 =	smov.u32 s31;
	s26 =	sshra.s32 s30, $0x2;
	[sflag:s14] =	ssyncset.done $0x0  }
0x47: {  	s28 =	sadd.s32 $0x50, s26;
	[sflag:s14] =	ssyncadd.s32 $0xFFFFEC00  }
0x48: {  	[tilespmem:s19], [sflag:$0x2] =	stream.indirect.gather [hbm4b:s4+s17], $0x40, s28, s17, $0xb8;
	[tilespmem:$0x16440] =	vst v63  }
0x49: {  	_ =	swait.ge [sflag:s20], $0x1400  }
0x4a: {  	[sflag:s20] =	ssyncset.done $0x0  }
0x4b: {  	s28 =	sadd.s32 $0x4E20, s26;
	[sflag:s20] =	ssyncadd.s32 $0xFFFFEC00  }
0x4c: {  	[spmem:s1] =	stream.indirect.scatter.add.f32 [tilespmem:s18], [sflag:$0x3], $0x40, s28, s17, $0xb8;
	[tilespmem:$0x16440] =	vst v63  }
0x4d: {  	_ =	swait.ge [sflag:s14], $0x1400  }
0x4e: {  	[sflag:s14] =	ssyncset.done $0x0  }
0x4f: {  	s28 =	sadd.s32 $0xA0, s26;
	[sflag:s14] =	ssyncadd.s32 $0xFFFFEC00  }
0x50: {  	[tilespmem:s18], [sflag:$0x1] =	stream.indirect.gather [hbm4b:s4+s17], $0x40, s28, s17, $0xb8;
	[tilespmem:$0x16440] =	vst v63  }
0x51: {  	_ =	swait.ge [sflag:s21], $0x1400  }
0x52: {  	[sflag:s21] =	ssyncset.done $0x0  }
0x53: {  	s29 =	sadd.s32 $0x4E70, s26;
	[sflag:s21] =	ssyncadd.s32 $0xFFFFEC00  }
0x54: {  	[spmem:s1] =	stream.indirect.scatter.add.f32 [tilespmem:s19], [sflag:$0x3], $0x40, s29, s17, $0xb8;
	[tilespmem:$0x16440] =	vst v63  }
0x55: {  	_ =	swait.ge [sflag:s14], $0x1400  }
0x56: {  	[sflag:s14] =	ssyncset.done $0x0  }
0x57: {  	[sflag:s14] =	ssyncadd.s32 $0xFFFFEC00  }
0x58: {  	[tilespmem:s19], [sflag:$0x2] =	stream.indirect.gather [hbm4b:s4+s17], $0x40, s22, s17, $0xb8;
	[tilespmem:$0x16440] =	vst v63  }
0x59: {  	_ =	swait.ge [sflag:s20], $0x1400  }
0x5a: {  	[sflag:s20] =	ssyncset.done $0x0  }
0x5b: {  	[sflag:s20] =	ssyncadd.s32 $0xFFFFEC00  }
0x5c: {  	[spmem:s1] =	stream.indirect.scatter.add.f32 [tilespmem:s18], [sflag:$0x3], $0x40, s23, s17, $0xb8;
	[tilespmem:$0x16440] =	vst v63  }
0x5d: {  	_ =	swait.ge [sflag:s14], $0x1400  }
0x5e: {  	[sflag:s14] =	ssyncset.done $0x0  }
0x5f: {  	[sflag:s14] =	ssyncadd.s32 $0xFFFFEC00  }
0x60: {  	_ =	swait.ge [sflag:s21], $0x1400  }
0x61: {  	[sflag:s21] =	ssyncset.done $0x0  }
0x62: {  	[sflag:s21] =	ssyncadd.s32 $0xFFFFEC00  }
0x63: {  	[spmem:s1] =	stream.indirect.scatter.add.f32 [tilespmem:s19], [sflag:$0x3], $0x40, s24, s17, $0xb8;
	[tilespmem:$0x16440] =	vst v63  }
0x64: {  	_ =	swait.ge [sflag:s14], $0x1400  }
0x65: {  	[sflag:s14] =	ssyncset.done $0x0  }
0x66: {  	[sflag:s14] =	ssyncadd.s32 $0xFFFFEC00  }
0x67: {  	[bflag:$0x0] =	sbarrier.arrive $0xFFFF  }
0x68: {  	[hbm:s8], [sflag:s15] =	dma.local [spmem:s16], $0x1400  }
0x69: {  	_ =	swait.ge [sflag:s14], $0x1400  }
0x6a: {  	[sflag:s14] =	ssyncset.done $0x0  }
0x6b: {  	[sflag:s14] =	ssyncadd.s32 $0xFFFFEC00  }
0x6c: {  	[spmem:s16], [sflag:s15] =	dma.local [hbm:s9], $0x1400  }
0x6d: {  	_ =	swait.ge [sflag:s14], $0x1400  }
0x6e: {  	[sflag:s14] =	ssyncset.done $0x0  }
0x6f: {  	s30 =	simm.s32 $0x0;
	[sflag:s14] =	ssyncadd.s32 $0xFFFFEC00  }
0x70: {  	[tilespmem:s30], [sflag:$0x3] =	stream.linear.gather [hbm4b:s10+s30], $0x4E20, $0x38;
	[tilespmem:$0x16440] =	vst v63  }
0x71: {  	_ =	swait.ge [sflag:s14], $0x4E20  }
0x72: {  	[sflag:s14] =	ssyncset.done $0x0  }
0x73: {  	[sflag:s14] =	ssyncadd.s32 $0xFFFFB1E0  }
0x74: {  	[bflag:$0x0] =	sbarrier.arrive $0xFFFF  }
0x75: {  	[tilespmem:s18], [sflag:$0x1] =	stream.indirect.gather [hbm4b:s4+s17], $0x40, s30, s17, $0xb8;
	[tilespmem:$0x16440] =	vst v63  }
0x76: {  	s31 =	simm.s32 $0x50  }
0x77: {  	[tilespmem:s19], [sflag:$0x2] =	stream.indirect.gather [hbm4b:s4+s17], $0x40, s31, s17, $0xb8;
	[tilespmem:$0x16440] =	vst v63  }
0x78: {  	_ =	swait.ge [sflag:s20], $0x1400  }
0x79: {  	[sflag:s20] =	ssyncset.done $0x0  }
0x7a: {  	s29 =	simm.s32 $0x4E20;
	[sflag:s20] =	ssyncadd.s32 $0xFFFFEC00  }
0x7b: {  	[spmem:s1] =	stream.indirect.scatter.add.f32 [tilespmem:s18], [sflag:$0x3], $0x40, s29, s17, $0xb8;
	[tilespmem:$0x16440] =	vst v63  }
0x7c: {  	_ =	swait.ge [sflag:s14], $0x1400  }
0x7d: {  	[sflag:s14] =	ssyncset.done $0x0  }
0x7e: {  	s30 =	simm.s32 $0xA0;
	[sflag:s14] =	ssyncadd.s32 $0xFFFFEC00  }
0x7f: {  	[tilespmem:s18], [sflag:$0x1] =	stream.indirect.gather [hbm4b:s4+s17], $0x40, s30, s17, $0xb8;
	[tilespmem:$0x16440] =	vst v63  }
0x80: {  	_ =	swait.ge [sflag:s21], $0x1400  }
0x81: {  	[sflag:s21] =	ssyncset.done $0x0  }
0x82: {  	s31 =	simm.s32 $0x4E70;
	[sflag:s21] =	ssyncadd.s32 $0xFFFFEC00  }
0x83: {  	[spmem:s1] =	stream.indirect.scatter.add.f32 [tilespmem:s19], [sflag:$0x3], $0x40, s31, s17, $0xb8;
	[tilespmem:$0x16440] =	vst v63  }
0x84: {  	_ =	swait.ge [sflag:s14], $0x1400  }
0x85: {  	s26 =	simm.s32 $0xA0;
	s28 =	simm.s32 $0x500;
	[sflag:s14] =	ssyncset.done $0x0  }
.LBB2_4:
0x86: {  	s29 =	sadd.s32 $0x50, s26  }
0x87: {  	[sflag:s14] =	ssyncadd.s32 $0xFFFFEC00;
	s30 =	smov.u32 s28;
	s31 =	sadd.s32 $0x280, s28  }
0x88: {  	[tilespmem:s19], [sflag:$0x2] =	stream.indirect.gather [hbm4b:s4+s17], $0x40, s29, s17, $0xb8;
	[tilespmem:$0x16440] =	vst v63  }
0x89: {  	p0 =	sne.s32 s28, $0x13380;
	_ =	swait.ge [sflag:s20], $0x1400  }
0x8a: {  	[sflag:s20] =	ssyncset.done $0x0  }
0x8b: {  	s28 =	sadd.s32 $0x4E20, s26;
	[sflag:s20] =	ssyncadd.s32 $0xFFFFEC00  }
0x8c: {  	[spmem:s1] =	stream.indirect.scatter.add.f32 [tilespmem:s18], [sflag:$0x3], $0x40, s28, s17, $0xb8;
	[tilespmem:$0x16440] =	vst v63  }
0x8d: {  	_ =	swait.ge [sflag:s14], $0x1400  }
0x8e: {  	[sflag:s14] =	ssyncset.done $0x0  }
0x8f: {  	s28 =	sadd.s32 $0xA0, s26;
	[sflag:s14] =	ssyncadd.s32 $0xFFFFEC00  }
0x90: {  	[tilespmem:s18], [sflag:$0x1] =	stream.indirect.gather [hbm4b:s4+s17], $0x40, s28, s17, $0xb8;
	[tilespmem:$0x16440] =	vst v63  }
0x91: {  	_ =	swait.ge [sflag:s21], $0x1400  }
.Ltmp1:
0x92: {  	[sflag:s21] =	ssyncset.done $0x0;
	(pc) =	sbr.rel @p0 .LBB2_4-.Ltmp1, $4  }
0x93: {  	s26 =	sadd.s32 $0x4E70, s26;
	[sflag:s21] =	ssyncadd.s32 $0xFFFFEC00  }
0x94: {  	[spmem:s1] =	stream.indirect.scatter.add.f32 [tilespmem:s19], [sflag:$0x3], $0x40, s26, s17, $0xb8;
	[tilespmem:$0x16440] =	vst v63  }
0x95: {  	_ =	swait.ge [sflag:s14], $0x1400  }
0x96: {  	s28 =	smov.u32 s31;
	s26 =	sshra.s32 s30, $0x2;
	[sflag:s14] =	ssyncset.done $0x0  }
0x97: {  	s28 =	sadd.s32 $0x50, s26;
	[sflag:s14] =	ssyncadd.s32 $0xFFFFEC00  }
0x98: {  	[tilespmem:s19], [sflag:$0x2] =	stream.indirect.gather [hbm4b:s4+s17], $0x40, s28, s17, $0xb8;
	[tilespmem:$0x16440] =	vst v63  }
0x99: {  	_ =	swait.ge [sflag:s20], $0x1400  }
0x9a: {  	[sflag:s20] =	ssyncset.done $0x0  }
0x9b: {  	s29 =	sadd.s32 $0x4E20, s26;
	[sflag:s20] =	ssyncadd.s32 $0xFFFFEC00  }
0x9c: {  	[spmem:s1] =	stream.indirect.scatter.add.f32 [tilespmem:s18], [sflag:$0x3], $0x40, s29, s17, $0xb8;
	[tilespmem:$0x16440] =	vst v63  }
0x9d: {  	_ =	swait.ge [sflag:s14], $0x1400  }
0x9e: {  	[sflag:s14] =	ssyncset.done $0x0  }
0x9f: {  	s30 =	sadd.s32 $0xA0, s26;
	[sflag:s14] =	ssyncadd.s32 $0xFFFFEC00  }
0xa0: {  	[tilespmem:s18], [sflag:$0x1] =	stream.indirect.gather [hbm4b:s4+s17], $0x40, s30, s17, $0xb8;
	[tilespmem:$0x16440] =	vst v63  }
0xa1: {  	_ =	swait.ge [sflag:s21], $0x1400  }
0xa2: {  	[sflag:s21] =	ssyncset.done $0x0  }
0xa3: {  	s31 =	sadd.s32 $0x4E70, s26;
	[sflag:s21] =	ssyncadd.s32 $0xFFFFEC00  }
0xa4: {  	[spmem:s1] =	stream.indirect.scatter.add.f32 [tilespmem:s19], [sflag:$0x3], $0x40, s31, s17, $0xb8;
	[tilespmem:$0x16440] =	vst v63  }
0xa5: {  	_ =	swait.ge [sflag:s14], $0x1400  }
0xa6: {  	[sflag:s14] =	ssyncset.done $0x0  }
0xa7: {  	[sflag:s14] =	ssyncadd.s32 $0xFFFFEC00  }
0xa8: {  	[tilespmem:s19], [sflag:$0x2] =	stream.indirect.gather [hbm4b:s4+s17], $0x40, s22, s17, $0xb8;
	[tilespmem:$0x16440] =	vst v63  }
0xa9: {  	_ =	swait.ge [sflag:s20], $0x1400  }
0xaa: {  	[sflag:s20] =	ssyncset.done $0x0  }
0xab: {  	[sflag:s20] =	ssyncadd.s32 $0xFFFFEC00  }
0xac: {  	[spmem:s1] =	stream.indirect.scatter.add.f32 [tilespmem:s18], [sflag:$0x3], $0x40, s23, s17, $0xb8;
	[tilespmem:$0x16440] =	vst v63  }
0xad: {  	_ =	swait.ge [sflag:s14], $0x1400  }
0xae: {  	[sflag:s14] =	ssyncset.done $0x0  }
0xaf: {  	[sflag:s14] =	ssyncadd.s32 $0xFFFFEC00  }
0xb0: {  	_ =	swait.ge [sflag:s21], $0x1400  }
0xb1: {  	[sflag:s21] =	ssyncset.done $0x0  }
0xb2: {  	[sflag:s21] =	ssyncadd.s32 $0xFFFFEC00  }
0xb3: {  	[spmem:s1] =	stream.indirect.scatter.add.f32 [tilespmem:s19], [sflag:$0x3], $0x40, s24, s17, $0xb8;
	[tilespmem:$0x16440] =	vst v63  }
0xb4: {  	_ =	swait.ge [sflag:s14], $0x1400  }
0xb5: {  	s25 =	sadd.s32 $0x1, s25;
	[sflag:s14] =	ssyncset.done $0x0  }
0xb6: {  	p0 =	sne.s32 s25, s12;
	[sflag:s14] =	ssyncadd.s32 $0xFFFFEC00  }
.Ltmp2:
0xb7: {  	[bflag:$0x0] =	sbarrier.arrive $0xFFFF;
	(pc) =	sbr.rel @p0 .LBB2_1-.Ltmp2, $4  }
0xb8: {  	[hbm:s11], [sflag:s15] =	dma.local [spmem:s16], $0x1400  }
0xb9: {  	_ =	swait.ge [sflag:s14], $0x1400  }
0xba: {  	[sflag:s14] =	ssyncset.done $0x0  }
0xbb: {  	[sflag:s14] =	ssyncadd.s32 $0xFFFFEC00  }
0xbc: {  	_ =	sfence.sel $0x180000  }
0xbd: {  	[bflag:$0x0] =	sbarrier.arrive $0xFFFF  }
0xbe: {  	p0 =	sne.s32 s2, $0x0;
	_ =	strace $0x9000004D  }
0xbf: {  	s0 =	sadd.s32 @!p0 $0x100000, s0;
	[bflag:$0x2] =	sbarrier.arrive $0xFFFF  }
0xc0: {  	[sflag:s0] =	ssyncadd.tile.s32 @!p0 $0x1;
	_ =	shalt  }
.Lfunc_end2:
_tile_overlayer_lowered:
.L_overlay_start_2:
0xc1: {  	(tag) =	ssettag $0x2  }
0xc2: {  	s0 =	rddreg [dreg:$0x0];
	s2 =	stileid.u32  }
0xc3: {  	s1 =	rddreg [dreg:$0x1];
	p0 =	sne.s32 s2, $0x0  }
0xc4: {  	s3 =	rddreg [dreg:$0x2];
	[bflag:$0x3] =	sbarrier.arrive $0xFFFF;
	s2 =	simm.s32 @!p0 $0x1C03  }
0xc5: {  	[timem:s3], [sflag:s2] =	dma.local @!p0 [hbm:s0], s1  }
0xc6: {  	s0 =	simm.s32 @!p0 $0x3  }
0xc7: {  	_ =	swait.ge @!p0 [sflag:s0], s1  }
0xc8: {  	s1 =	ssub.s32 @!p0 $0x0, s1;
	[sflag:s0] =	ssyncset.done @!p0 $0x0  }
0xc9: {  	[sflag:s0] =	ssyncadd.s32 @!p0 s1  }
0xca: {  	[bflag:$0x3] =	sbarrier.arrive $0xFFFF  }
0xcb: {  	_ =	shalt  }

// kernel: kernel.8.cloned.1.call-start
scs
__scs_entry_jumppad:
0x0: {  	(pc) =	sbr.rel $0x88, $3  }
0x1: {  	(tag) =	ssettag $0x0;
	lr =	simm.s32 $0x1  }
0x2: {  	[smem:$0x3F90] =	sst lr;
	_ =	strace $0xD0000000  }
0x3: {  	_ = 	snop  }
0x4: {  	_ = 	snop  }
0x5: {  	_ = 	snop  }
0x6: {  	_ = 	snop  }
0x7: {  	_ = 	snop  }
__scs_overlays_trampoline_lowered:
0x8: {  	[smem:$0x3F9F] =	sst s0  }
0x9: {  	[smem:$0x3FA0] =	sst s1  }
0xa: {  	[smem:$0x3FA1] =	sst s2  }
0xb: {  	[smem:$0x3FA2] =	sst s3  }
0xc: {  	[smem:$0x3FA3] =	sst s4  }
0xd: {  	[smem:$0x3FA4] =	sst s5  }
0xe: {  	[smem:$0x3FA5] =	sst s6  }
0xf: {  	[smem:$0x3FA6] =	sst s7  }
0x10: {  	[smem:$0x3FA7] =	sst s8  }
0x11: {  	[smem:$0x3FA8] =	sst s9;
	s0 =	simm.s32 @!p0 $0x0  }
0x12: {  	s1 =	sld [smem:$0x3F8E];
	s0 =	simm.s32 @p0 $0x1  }
0x13: {  	[smem:$0x3FA9] =	sst s0;
	s0 =	simm.s32 @!p1 $0x0  }
0x14: {  	s2 =	sld [smem:$0x3F8D];
	s0 =	simm.s32 @p1 $0x1  }
0x15: {  	[smem:$0x3FAA] =	sst s0;
	s0 =	simm.s32 @!p2 $0x0  }
0x16: {  	s3 =	sld [smem:$0x3FDB];
	s0 =	simm.s32 @p2 $0x1  }
0x17: {  	s4 =	simm.s32 $0x1BF5;
	[smem:$0x3FAC] =	sst s0  }
0x18: {  	s0 =	sld [smem:$0x3F8F];
	_ =	swait.ge [sflag:s4], $0x0  }
0x19: {  	s7 =	sld [smem:$0x3F90]  }
0x1a: {  	s8 =	sadd.s32 $0xFFFFE003, lr  }
0x1b: {  	s9 =	sadd.s32 $0xFFFFFEF7, lr;
	s5 =	simm.s32 $0xFFFFFFFF;
	p2 =	slt.u32 s8, $0xFFFFF086  }
0x1c: {  	p1 =	slt.u32 s9, $0xF7A;
	s5 =	simm.s32 @!p2 $0x0  }
0x1d: {  	s5 =	simm.s32 @p1 $0x1;
	p0 =	seq.s32 s7, s2  }
0x1e: {  	s7 =	smul.u32 @!p0 $0xF7A, s2;
	p2 =	seq.s32 @!p0 s5, $0x0  }
0x1f: {  	s9 =	smul.u32 $0xF7A, s1;
	s8 =	simm.s32 @!p0 $0x1BF5;
	p2 =	por !p2, p0  }
0x20: {  	[sflag:s8] =	ssyncset.s32 @!p0 $0xFFFFF086;
	s6 =	sadd.s32 @!p0 s3, s7;
	s7 =	simm.s32 @!p0 $0x108  }
0x21: {  	s3 =	sadd.s32 s3, s9;
	s6 =	sadd.s32 @!p0 $0x88, s6;
	s7 =	simm.s32 @p2 $0x1082  }
0x22: {  	[simem:s7], [sflag:s8] =	dma.local @!p0 [hbm:s6], $0xF7A  }
0x23: {  	s9 =	sor.u32 $0xD0000000, s2;
	s6 =	simm.s32 $0x108;
	_ =	swait.ge @!p0 [sflag:s8], $0x0  }
0x24: {  	s3 =	sadd.s32 $0x88, s3;
	s6 =	simm.s32 @!p1 $0x1082;
	[sflag:s4] =	ssyncset.s32 $0xFFFFF086  }
0x25: {  	[simem:s6], [sflag:s4] =	dma.local [hbm:s3], $0xF7A  }
0x26: {  	[smem:$0x3F90] =	sst s1;
	(tag) =	ssettag s2;
	_ =	strace s9  }
0x27: {  	s1 =	sld [smem:$0x3FA0]  }
0x28: {  	s2 =	sld [smem:$0x3FA1]  }
0x29: {  	s4 =	sld [smem:$0x3FA3]  }
0x2a: {  	p0 =	seq.s32 s5, $0x0;
	s5 =	sld [smem:$0x3FA4]  }
0x2b: {  	s6 =	sld [smem:$0x3FA5]  }
0x2c: {  	s7 =	sld [smem:$0x3FA6]  }
0x2d: {  	s3 =	simm.s32 $0x108;
	s8 =	sld [smem:$0x3FA7]  }
0x2e: {  	s3 =	simm.s32 @!p0 $0x1082;
	s9 =	sld [smem:$0x3FA8]  }
0x2f: {  	lr =	sadd.s32 s0, s3;
	s0 =	sld [smem:$0x3F9F]  }
0x30: {  	s3 =	sld [smem:$0x3FA2]  }
0x31: {  	[smem:$0x3FAB] =	sst s10  }
0x32: {  	s10 =	sld [smem:$0x3FA9];
	_ =	sdelay $0x3  }
0x33: {  	p0 =	seq.s32 s10, $0x1;
	s10 =	sld [smem:$0x3FAB];
	_ =	sdelay $0x3  }
0x34: {  	[smem:$0x3FAB] =	sst s10  }
0x35: {  	s10 =	sld [smem:$0x3FAA];
	_ =	sdelay $0x3  }
0x36: {  	p1 =	seq.s32 s10, $0x1;
	s10 =	sld [smem:$0x3FAB];
	_ =	sdelay $0x3  }
0x37: {  	[smem:$0x3FAB] =	sst s10  }
0x38: {  	s10 =	sld [smem:$0x3FAC]  }
0x39: {  	_ = 	snop;
	(pc) =	sbr.ind lr, $3  }
0x3a: {  	_ = 	snop  }
0x3b: {  	_ = 	snop  }
0x3c: {  	p2 =	seq.s32 s10, $0x1;
	s10 =	sld [smem:$0x3FAB]  }
0x3d: {  	_ =	shalt  }
0x3e: {  	_ =	shalt  }
0x3f: {  	_ =	shalt  }
0x40: {  	_ =	shalt  }
0x41: {  	_ =	shalt  }
0x42: {  	_ =	shalt  }
0x43: {  	_ =	shalt  }
0x44: {  	_ =	shalt  }
0x45: {  	_ =	shalt  }
0x46: {  	_ =	shalt  }
0x47: {  	_ =	shalt  }
0x48: {  	_ =	shalt  }
0x49: {  	_ =	shalt  }
0x4a: {  	_ =	shalt  }
0x4b: {  	_ =	shalt  }
0x4c: {  	_ =	shalt  }
0x4d: {  	_ =	shalt  }
0x4e: {  	_ =	shalt  }
0x4f: {  	_ =	shalt  }
0x50: {  	_ =	shalt  }
0x51: {  	_ =	shalt  }
0x52: {  	_ =	shalt  }
0x53: {  	_ =	shalt  }
0x54: {  	_ =	shalt  }
0x55: {  	_ =	shalt  }
0x56: {  	_ =	shalt  }
0x57: {  	_ =	shalt  }
0x58: {  	_ =	shalt  }
0x59: {  	_ =	shalt  }
0x5a: {  	_ =	shalt  }
0x5b: {  	_ =	shalt  }
0x5c: {  	_ =	shalt  }
0x5d: {  	_ =	shalt  }
0x5e: {  	_ =	shalt  }
0x5f: {  	_ =	shalt  }
0x60: {  	_ =	shalt  }
0x61: {  	_ =	shalt  }
0x62: {  	_ =	shalt  }
0x63: {  	_ =	shalt  }
0x64: {  	_ =	shalt  }
0x65: {  	_ =	shalt  }
0x66: {  	_ =	shalt  }
0x67: {  	_ =	shalt  }
0x68: {  	_ =	shalt  }
0x69: {  	_ =	shalt  }
0x6a: {  	_ =	shalt  }
0x6b: {  	_ =	shalt  }
0x6c: {  	_ =	shalt  }
0x6d: {  	_ =	shalt  }
0x6e: {  	_ =	shalt  }
0x6f: {  	_ =	shalt  }
0x70: {  	_ =	shalt  }
0x71: {  	_ =	shalt  }
0x72: {  	_ =	shalt  }
0x73: {  	_ =	shalt  }
0x74: {  	_ =	shalt  }
0x75: {  	_ =	shalt  }
0x76: {  	_ =	shalt  }
0x77: {  	_ =	shalt  }
0x78: {  	_ =	shalt  }
0x79: {  	_ =	shalt  }
0x7a: {  	_ =	shalt  }
0x7b: {  	_ =	shalt  }
0x7c: {  	_ =	shalt  }
0x7d: {  	_ =	shalt  }
0x7e: {  	_ =	shalt  }
0x7f: {  	_ =	shalt  }
0x80: {  	_ =	shalt  }
0x81: {  	_ =	shalt  }
0x82: {  	_ =	shalt  }
0x83: {  	_ =	shalt  }
0x84: {  	_ =	shalt  }
0x85: {  	_ =	shalt  }
0x86: {  	_ =	shalt  }
0x87: {  	_ =	shalt  }
.Lfunc_end0:
.L_simem_size_0:
called_computation_lowered:
.L_overlay_start_0:
0x88: {  	s2 =	sld [smem:$0x3FD9]  }
0x89: {  	s3 =	sld [smem:$0x3FFE];
	_ =	sdelay $0x1  }
0x8a: {  	s1 =	srdreg.scid  }
0x8b: {  	s0 =	sand.u32 $0x1, s1  }
0x8c: {  	s16 =	sshll.u32 s0, $0xA;
	s2 =	sadd.s32 s3, s2  }
0x8d: {  	s2 =	sadd.s32 s2, s16  }
0x8e: {  	[smem:$0x3FB7] =	sst s2  }
0x8f: {  	_ = 	snop  }
0x90: {  	(tm) =	ssettm $0x1  }
0x91: {  	s17 =	sld [smem:$0x3FFB];
	_ =	sdelay $0x3  }
0x92: {  	_ =	strace s17  }
0x93: {  	s2 =	sld [smem:$0x3FFC];
	_ =	sdelay $0x3  }
0x94: {  	_ =	strace s2  }
0x95: {  	s2 =	sld [smem:$0x3FFD];
	_ =	sdelay $0x3  }
0x96: {  	_ =	strace s2  }
0x97: {  	_ =	strace $0x8FFFFFFF  }
0x98: {  	s18 =	sld [smem:$0x3FDB];
	_ =	sdelay $0x1  }
0x99: {  	s19 =	simm.s32 $_scs_section_size  }
0x9a: {  	s4 =	simm.s32 $_size__tile_overlayer_lowered;
	s5 =	simm.s32 $_tile_overlayer_lowered  }
0x9b: {  	s22 =	simm.s32 $0x1BFF;
	s21 =	sshll.u32 s5, $0x1;
	s2 =	sadd.s32 s19, s18  }
0x9c: {  	s6 =	simm.s32 $0x0;
	s20 =	sshll.u32 s4, $0x1;
	s4 =	sadd.s32 s21, s2  }
0x9d: {  	[timem:s6], [sflag:s22] =	dma.local [hbm:s4], s20  }
0x9e: {  	_ =	swait.ge [sflag:s22], s20  }
0x9f: {  	s3 =	ssub.s32 $0x0, s20;
	[sflag:s22] =	ssyncset.done $0x0  }
0xa0: {  	[sflag:s22] =	ssyncadd.s32 s3;
	_ =	sdelay $0x1  }
0xa1: {  	s23 =	simm.s32 $0x1B8B  }
0xa2: {  	_ =	swait.ge [sflag:s23], $0x1  }
0xa3: {  	[sflag:s23] =	ssyncset.done $0x0  }
0xa4: {  	s25 =	simm.s32 $0x1B8E;
	s24 =	sld [smem:$0x3FFE];
	[sflag:s23] =	ssyncadd.s32 $0xFFFFFFFF  }
0xa5: {  	s26 =	simm.s32 $execute0_lowered;
	[smem:$0x3FD2] =	sst s25  }
0xa6: {  	s4 =	sshll.u32 s26, $0x1;
	_ =	strace $0x80000046;
	[dreg:$0x1] =	wrdreg $0xFFFFFFFF  }
0xa7: {  	s28 =	simm.s32 $_size_execute0_lowered;
	s2 =	sadd.s32 s2, s4;
	[dreg:$0x0] =	wrdreg $0x0  }
0xa8: {  	s4 =	sshll.u32 s28, $0x1;
	[dreg:$0x2] =	wrdreg s2  }
0xa9: {  	[dreg:$0x3] =	wrdreg s4  }
0xaa: {  	[dreg:$0x4] =	wrdreg $0xC0  }
0xab: {  	_ =	task [dreg:s6], $0x5FFFF  }
0xac: {  	[dreg:$0x1] =	wrdreg $0xFFFFFFFF  }
0xad: {  	[dreg:$0x0] =	wrdreg $0x60  }
0xae: {  	[dreg:$0x2] =	wrdreg s24  }
0xaf: {  	[dreg:$0x3] =	wrdreg $0x68000  }
0xb0: {  	[dreg:$0x4] =	wrdreg $0x9  }
0xb1: {  	_ =	task.clear_ibuf [dreg:s6], $0x5FFFF;
	_ =	strace $0x90000046  }
0xb2: {  	s29 =	simm.s32 $0x9;
	_ =	strace $0x80000048  }
0xb3: {  	_ =	swait.ge [sflag:s29], $0x1  }
0xb4: {  	[sflag:s29] =	ssyncadd.s32 $0xFFFFFFFF  }
0xb5: {  	_ =	strace $0x90000048  }
0xb6: {  	_ =	sfence  }
0xb7: {  	s30 =	sld [smem:$0x0];
	_ =	sdelay $0x2  }
0xb8: {  	s31 =	sshll.u32 s1, $0xD;
	s1 =	sshrl.u32 s1, $0x2  }
0xb9: {  	s3 =	sand.u32 $0x4000, s31;
	s1 =	sadd.s32 s1, s30  }
0xba: {  	s0 =	sor.u32 s3, s0;
	s1 =	sshll.u32 s1, $0x11  }
0xbb: {  	s0 =	sor.u32 s1, s0  }
0xbc: {  	s0 =	sadd.s32 $0x8F2B, s0  }
0xbd: {  	[sflag:s0] =	ssyncadd.remote.s32 $0x1  }
0xbe: {  	_ =	sfence.sel $0xFFFF  }
0xbf: {  	[dreg:$0x0] =	wrdreg $0xFFFFFFFF;
	(pc) =	sbr.abs _section_cstart, $3  }
0xc0: {  	[dreg:$0x1] =	wrdreg $0xFFFFFFFF  }
0xc1: {  	_ =	task.clear_ibuf [dreg:s6], $0x2FFFF;
	_ =	strace $0x9FFFFFFF  }
0xc2: {  	(tm) =	ssettm $0x7FFFFFFF  }
0xc3: {  	_ =	shalt  }
tec
execute0_lowered:
.L_overlay_start_1:
0x0: {  	(tag) =	ssettag $0x1  }
0x1: {  	s5 =	rddreg [dreg:$0x0]  }
0x2: {  	s1 =	rddreg [dreg:$0x1];
	s2 =	srdreg.scid  }
0x3: {  	s0 =	rddreg [dreg:$0x2];
	s3 =	simm.s32 $0x0;
	s6 =	sand.u32 $0x1, s2  }
0x4: {  	s13 =	simm.s32 $0x50;
	s2 =	stileid.u32;
	s4 =	smul.u32 $0x140000, s6  }
0x5: {  	s14 =	simm.s32 $0x0;
	[smem:$0x7FF] =	sst s3;
	s7 =	smul.u32 $0x14000, s2  }
0x6: {  	_ =	strace $0x80000047;
	s8 =	sshll.u32 s2, $0xB;
	s9 =	smul.u32 $0x50000, s2  }
0x7: {  	s10 =	ssub.s32 $0x2, s6;
	s6 =	sshll.u32 s6, $0xF;
	s31 =	sshll.u32 s2, $0x6  }
0x8: {  	s8 =	sadd.s32 s8, s5;
	s30 =	sshrl.u32 s10, $0x1;
	s7 =	sadd.s32 s7, s4  }
0x9: {  	s4 =	sadd.s32 $0x13200, s5;
	s9 =	sshrl.u32 s9, $0x2;
	s10 =	ssub.s32 s10, s30  }
0xa: {  	s8 =	sadd.s32 s6, s8;
	s6 =	sor.u32 $0x1C01, s31;
	s7 =	sshrl.u32 s7, $0x3  }
0xb: {  	s12 =	sadd.s32 s9, s1;
	s9 =	smax.u32 s10, $0x1;
	s11 =	sadd.s32 s7, s5  }
0xc: {  	s5 =	sadd.s32 s4, s7;
	s7 =	sadd.s32 $0x3200, s8;
	s10 =	sshrl.u32 s12, $0x3  }
0xd: {  	s12 =	simm.s32 $0x4000;
	s8 =	sadd.s32 $0x63200, s11;
	s11 =	simm.s32 $0x1  }
.LBB2_1:
0xe: {  	[spmem:s10], [sflag:s6] =	dma.local [hbm:s5], $0x2800  }
0xf: {  	_ =	swait.ge [sflag:s11], $0x2800  }
0x10: {  	[sflag:s11] =	ssyncset.done $0x0  }
0x11: {  	[sflag:s11] =	ssyncadd.s32 $0xFFFFD800  }
0x12: {  	[tilespmem:s12], [sflag:$0x1] =	stream.linear.gather [hbm4b:s4+s3], $0x2800, $0x38;
	[tilespmem:$0x9000] =	vst v63  }
0x13: {  	_ =	swait.ge [sflag:s11], $0x2800  }
0x14: {  	[sflag:s11] =	ssyncset.done $0x0  }
0x15: {  	[sflag:s11] =	ssyncadd.s32 $0xFFFFD800  }
0x16: {  	[tilespmem:s3], [sflag:$0x1] =	stream.linear.gather [hbm4b:s7+s3], $0x3E80, $0x38;
	[tilespmem:$0x9000] =	vst v63  }
0x17: {  	_ =	swait.ge [sflag:s11], $0x3E80  }
0x18: {  	[sflag:s11] =	ssyncset.done $0x0  }
0x19: {  	[sflag:s11] =	ssyncadd.s32 $0xFFFFC180  }
0x1a: {  	s15 =	simm.s32 $0x0;
	[bflag:$0x0] =	sbarrier.arrive $0xFFFF  }
0x1b: {  	[spmem:s1] =	stream.indirect.scatter.add.f32 [tilespmem:s12], [sflag:$0x1], $0x10, s15, s13, $0xb8;
	[tilespmem:$0x9000] =	vst v63  }
0x1c: {  	_ =	swait.ge [sflag:s11], $0x500  }
0x1d: {  	s15 =	simm.s32 $0x200;
	[sflag:s11] =	ssyncset.done $0x0  }
.LBB2_2:
0x1e: {  	s16 =	sshra.s32 s15, $0x2;
	[sflag:s11] =	ssyncadd.s32 $0xFFFFFB00;
	p0 =	sne.s32 s15, $0xF800  }
0x1f: {  	[spmem:s1] =	stream.indirect.scatter.add.f32 [tilespmem:s12], [sflag:$0x1], $0x10, s16, s13, $0xb8;
	[tilespmem:$0x9000] =	vst v63  }
.Ltmp0:
0x20: {  	_ = 	snop;
	(pc) =	sbr.rel @p0 .LBB2_2-.Ltmp0, $4  }
0x21: {  	_ = 	snop  }
0x22: {  	s15 =	sadd.s32 $0x200, s15  }
0x23: {  	_ =	swait.ge [sflag:s11], $0x500  }
0x24: {  	[sflag:s11] =	ssyncset.done $0x0  }
0x25: {  	s14 =	sadd.s32 $0x1, s14  }
0x26: {  	[sflag:s11] =	ssyncadd.s32 $0xFFFFFB00;
	p0 =	sne.s32 s14, s9  }
.Ltmp1:
0x27: {  	[bflag:$0x0] =	sbarrier.arrive $0xFFFF;
	(pc) =	sbr.rel @p0 .LBB2_1-.Ltmp1, $4  }
0x28: {  	[hbm:s8], [sflag:s6] =	dma.local [spmem:s10], $0x2800  }
0x29: {  	_ =	swait.ge [sflag:s11], $0x2800  }
0x2a: {  	[sflag:s11] =	ssyncset.done $0x0  }
0x2b: {  	[sflag:s11] =	ssyncadd.s32 $0xFFFFD800  }
0x2c: {  	_ =	sfence.sel $0x180000  }
0x2d: {  	[bflag:$0x0] =	sbarrier.arrive $0xFFFF  }
0x2e: {  	p0 =	sne.s32 s2, $0x0;
	_ =	strace $0x90000047  }
0x2f: {  	s0 =	sadd.s32 @!p0 $0x100000, s0;
	[bflag:$0x2] =	sbarrier.arrive $0xFFFF  }
0x30: {  	[sflag:s0] =	ssyncadd.tile.s32 @!p0 $0x1;
	_ =	shalt  }
.Lfunc_end2:
_tile_overlayer_lowered:
.L_overlay_start_2:
0x31: {  	(tag) =	ssettag $0x2  }
0x32: {  	s0 =	rddreg [dreg:$0x0];
	s2 =	stileid.u32  }
0x33: {  	s1 =	rddreg [dreg:$0x1];
	p0 =	sne.s32 s2, $0x0  }
0x34: {  	s3 =	rddreg [dreg:$0x2];
	[bflag:$0x3] =	sbarrier.arrive $0xFFFF;
	s2 =	simm.s32 @!p0 $0x1C01  }
0x35: {  	[timem:s3], [sflag:s2] =	dma.local @!p0 [hbm:s0], s1  }
0x36: {  	s0 =	simm.s32 @!p0 $0x1  }
0x37: {  	_ =	swait.ge @!p0 [sflag:s0], s1  }
0x38: {  	s1 =	ssub.s32 @!p0 $0x0, s1;
	[sflag:s0] =	ssyncset.done @!p0 $0x0  }
0x39: {  	[sflag:s0] =	ssyncadd.s32 @!p0 s1  }
0x3a: {  	[bflag:$0x3] =	sbarrier.arrive $0xFFFF  }
0x3b: {  	_ =	shalt  }

</sc_bundles>
